<compile_context>
chip_gen: v7x
topology: tpu7x:2x2x1
jax: 0.10.2.dev20260603
libtpu: 0.0.44.dev20260713+nightly
codegen_flags: <defaults>
</compile_context>

<pallas_src>
import functools

import jax
import jax.numpy as jnp
from jax import lax
from jax.experimental import pallas as pl
from jax.experimental.pallas import tpu as pltpu
from jax.experimental.pallas import tpu_sc as plsc

_N_E = 8192
_E_DIM = 256
_BETA = 0.25

_BT = 512
_NEB = 512


_SUB = 8


def _argmin_body(x_ref, emb2_ref, xn_ref, en_ref, idx_out, dmin_out,
                 accv_ref, acci_ref):
    n = pl.program_id(1)
    nne = pl.num_programs(1)
    eb = emb2_ref[pl.ds(n * _NEB, _NEB), :]
    m2_t = lax.dot_general(eb, x_ref[...], (((1,), (1,)), ((), ())),
                           preferred_element_type=jnp.float32)
    en_col = en_ref[pl.ds(n * _NEB, _NEB), :]
    xn_row = xn_ref[...]
    iota8 = lax.broadcasted_iota(jnp.int32, (_SUB, _BT), 0).astype(jnp.float32)

    inf = jnp.full((_SUB, _BT), jnp.inf, jnp.float32)
    zero = jnp.zeros((_SUB, _BT), jnp.float32)
    av = jnp.where(n == 0, inf, accv_ref[...])
    ai = jnp.where(n == 0, zero, acci_ref[...])
    for c in range(_NEB // _SUB):
        m_c = lax.slice(m2_t, (c * _SUB, 0), ((c + 1) * _SUB, _BT))
        en_c = lax.slice(en_col, (c * _SUB, 0), ((c + 1) * _SUB, 1))
        d_c = (xn_row + en_c) - m_c
        i_c = iota8 + (n * _NEB + c * _SUB).astype(jnp.float32)
        upd = d_c < av
        av = jnp.where(upd, d_c, av)
        ai = jnp.where(upd, i_c, ai)
    accv_ref[...] = av
    acci_ref[...] = ai

    @pl.when(n == nne - 1)
    def _():
        vs = [lax.slice(av, (r, 0), (r + 1, _BT)) for r in range(_SUB)]
        is_ = [lax.slice(ai, (r, 0), (r + 1, _BT)) for r in range(_SUB)]
        while len(vs) > 1:
            nv, ni = [], []
            for a in range(0, len(vs), 2):
                va, vb = vs[a], vs[a + 1]
                ia, ib = is_[a], is_[a + 1]
                keep_a = jnp.logical_or(va < vb,
                                        jnp.logical_and(va == vb, ia < ib))
                nv.append(jnp.where(keep_a, va, vb))
                ni.append(jnp.where(keep_a, ia, ib))
            vs, is_ = nv, ni
        idx_out[...] = is_[0][0].astype(jnp.int32)
        dmin_out[...] = vs[0][0]


def _distance_argmin(latent, emb, xn2, en2):
    nt, nne = 16384 // _BT, _N_E // _NEB
    return pl.pallas_call(
        _argmin_body,
        grid=(nt, nne),
        in_specs=[
            pl.BlockSpec((_BT, _E_DIM), lambda t, n: (t, 0)),
            pl.BlockSpec((_N_E, _E_DIM), lambda t, n: (0, 0)),
            pl.BlockSpec((1, _BT), lambda t, n: (0, t)),
            pl.BlockSpec((_N_E, 1), lambda t, n: (0, 0)),
        ],
        out_specs=[
            pl.BlockSpec((_BT,), lambda t, n: (t,)),
            pl.BlockSpec((_BT,), lambda t, n: (t,)),
        ],
        out_shape=[
            jax.ShapeDtypeStruct((16384,), jnp.int32),
            jax.ShapeDtypeStruct((16384,), jnp.float32),
        ],
        scratch_shapes=[
            pltpu.VMEM((_SUB, _BT), jnp.float32),
            pltpu.VMEM((_SUB, _BT), jnp.float32),
        ],
        compiler_params=pltpu.CompilerParams(
            dimension_semantics=("arbitrary", "arbitrary"),
        ),
    )(latent, emb, xn2, en2)


def _sc_gather(table, indices):
    info = plsc.get_sparse_core_info()
    nc, ns = info.num_cores, info.num_subcores
    nw = nc * ns
    b = 16384
    b_per_w = b // nw
    ch = 128
    nch = b_per_w // ch
    mesh = plsc.VectorSubcoreMesh(core_axis_name="c", subcore_axis_name="s")

    @functools.partial(
        pl.kernel,
        mesh=mesh,
        out_type=jax.ShapeDtypeStruct((b, _E_DIM), jnp.float32),
        scratch_types=[
            pltpu.VMEM((ch,), jnp.int32),
            pltpu.VMEM((ch, _E_DIM), jnp.float32),
            pltpu.SemaphoreType.DMA,
        ],
    )
    def gather_kernel(table_hbm, idx_hbm, out_hbm, idx_v, rows_v, sem):
        wid = lax.axis_index("s") * nc + lax.axis_index("c")
        for c in range(nch):
            base = wid * b_per_w + c * ch
            pltpu.sync_copy(idx_hbm.at[pl.ds(base, ch)], idx_v)
            pltpu.async_copy(table_hbm.at[idx_v], rows_v, sem).wait()
            pltpu.sync_copy(rows_v, out_hbm.at[pl.ds(base, ch)])

    return gather_kernel(table, indices)


def kernel(x, label, idx, emb):
    latent = x.reshape(-1, _E_DIM)
    xn = jnp.sum(latent ** 2, axis=1)
    en = jnp.sum(emb ** 2, axis=1)
    indices, dmin = _distance_argmin(latent, emb * 2.0, xn[None, :], en[:, None])
    x_q = _sc_gather(emb, indices)
    loss = jnp.sum(dmin) * jnp.float32(_BETA / (16384 * _E_DIM))
    return (x_q.reshape(x.shape), loss, indices.reshape(x.shape[:-1]))

# --- scband reference (transcript-rebuilt; emitter-appended) ---
"""Pipeline reference for scband-kmeans-vector-quantizer-56453050138867 (READ-ONLY COPY).

The authoritative reference and input builder live on the scoring server;
editing this copy changes nothing except your own understanding.
"""

import jax, jax.numpy as jnp
import numpy as np

N_E = 8192
E_DIM = 256
BETA = 0.25


def setup_inputs(seed: int = 0) -> dict:
    key = jax.random.key(seed)
    k1, k2, k3, k4 = jax.random.split(key, 4)
    x = jax.random.normal(k1, (16, 1024, E_DIM), dtype=jnp.float32)
    label = jax.random.randint(k2, (16,), 0, 1000, dtype=jnp.int64 if jax.config.jax_enable_x64 else jnp.int32)
    idx = jax.random.randint(k3, (16,), 0, 16384, dtype=jnp.int64 if jax.config.jax_enable_x64 else jnp.int32)
    emb = jax.random.uniform(k4, (N_E, E_DIM), minval=-1.0 / N_E, maxval=1.0 / N_E, dtype=jnp.float32)
    return {"x": x, "label": label, "idx": idx, "emb": emb}


def reference(x, label, idx, emb):
    # latent = x.view(-1, e_dim)
    latent = x.reshape(-1, E_DIM)
    # pairwise squared L2 distances via expansion
    d = (jnp.sum(latent ** 2, axis=1, keepdims=True)
         + jnp.sum(emb ** 2, axis=1, keepdims=True).T
         - 2.0 * jnp.matmul(latent, emb.T))
    indices = jnp.argmin(d, axis=-1)
    x_q = jnp.take(emb, indices, axis=0).reshape(x.shape)
    commitment_loss = jnp.mean((jax.lax.stop_gradient(x_q) - x) ** 2)
    loss = BETA * commitment_loss
    # straight-through estimator
    x_q_st = x + jax.lax.stop_gradient(x_q - x)
    indices = indices.reshape(x.shape[:-1])
    return (x_q_st, loss, indices)

if __name__ == "__main__":
    import jax
    _d = setup_inputs()
    print(jax.jit(kernel)(*tuple(_d.values())))

</pallas_src>

<mosaic_0001>
#map = affine_map<(d0, d1) -> (0, 0)>
#map1 = affine_map<(d0, d1) -> (0)>
module attributes {stable_mosaic.version = 14 : i64} {
  func.func @gather_kernel(%arg0: i32, %arg1: i32, %arg2: memref<8192x256xf32, #tpu.memory_space<hbm>>, %arg3: memref<16384xi32, #tpu.memory_space<hbm>>, %arg4: memref<16384x256xf32, #tpu.memory_space<hbm>>, %arg5: memref<128xi32, #tpu.memory_space<vmem>>, %arg6: memref<128x256xf32, #tpu.memory_space<vmem>>, %arg7: memref<!tpu.dma_semaphore, #tpu.memory_space<semaphore_mem>>) attributes {dimension_semantics = [#tpu.dimension_semantics<core_parallel>, #tpu.dimension_semantics<subcore_parallel>], iteration_bounds = array<i64: 2, 16>, scalar_prefetch = 0 : i64, scratch_operands = 3 : i64, tpu.core_type = #tpu.core_type<sc_vector_subcore>, window_params = [{transform_indices = #map}, {transform_indices = #map1}, {transform_indices = #map}]} {
    %mul3A = arith.constant 2 : i32
    %mul3A_0 = arith.muli %arg1, %mul3A : i32
    %add3A = arith.addi %mul3A_0, %arg0 : i32
    %mul3A_1 = arith.constant 512 : i32
    %mul3A_2 = arith.muli %add3A, %mul3A_1 : i32
    %add3A_3 = arith.constant 0 : i32
    %add3A_4 = arith.addi %mul3A_2, %add3A_3 : i32
    "tpu.region"() ({
      %run_scoped3A = tpu.sem_alloc : memref<!tpu.dma_semaphore, #tpu.memory_space<semaphore_mem>>
      %dma_start3A_39 = tpu.memref_slice %arg3[%add3A_4] : memref<16384xi32, #tpu.memory_space<hbm>> -> memref<128xi32, #tpu.memory_space<hbm>>
      %dma_start3A_40 = tpu.memref_slice %arg3[%add3A_4] : memref<16384xi32, #tpu.memory_space<hbm>> -> memref<128xi32, #tpu.memory_space<hbm>>
      tpu.enqueue_dma source(%dma_start3A_40 : memref<128xi32, #tpu.memory_space<hbm>>) target(%arg5 : memref<128xi32, #tpu.memory_space<vmem>>) target_semaphore(%run_scoped3A : memref<!tpu.dma_semaphore, #tpu.memory_space<semaphore_mem>>)
      %dma_wait3A_41 = tpu.memref_slice %arg3[%add3A_4] : memref<16384xi32, #tpu.memory_space<hbm>> -> memref<128xi32, #tpu.memory_space<hbm>>
      %dma_wait3A_42 = tpu.memref_slice %arg3[%add3A_4] : memref<16384xi32, #tpu.memory_space<hbm>> -> memref<128xi32, #tpu.memory_space<hbm>>
      tpu.wait_dma2 semaphore(%run_scoped3A : memref<!tpu.dma_semaphore, #tpu.memory_space<semaphore_mem>>) src(%dma_wait3A_42 : memref<128xi32, #tpu.memory_space<hbm>>) dst(%arg5 : memref<128xi32, #tpu.memory_space<vmem>>)
      tpu.yield
    }) : () -> ()
    %dma_start3A = arith.constant 0 : i32
    %dma_start3A_5 = arith.constant 0 : i32
    %dma_start3A_6 = tpu.memref_slice %arg2[%dma_start3A, %dma_start3A_5] : memref<8192x256xf32, #tpu.memory_space<hbm>> -> memref<8192x256xf32, #tpu.memory_space<hbm>>
    tpu.enqueue_indirect_dma source(%dma_start3A_6 : memref<8192x256xf32, #tpu.memory_space<hbm>>) target(%arg6 : memref<128x256xf32, #tpu.memory_space<vmem>>) offsets(%arg5 : memref<128xi32, #tpu.memory_space<vmem>>) semaphore(%arg7 : memref<!tpu.dma_semaphore, #tpu.memory_space<semaphore_mem>>)
    %dma_wait3A = arith.constant 0 : i32
    %dma_wait3A_7 = arith.constant 0 : i32
    %dma_wait3A_8 = tpu.memref_slice %arg2[%dma_wait3A, %dma_wait3A_7] : memref<8192x256xf32, #tpu.memory_space<hbm>> -> memref<8192x256xf32, #tpu.memory_space<hbm>>
    tpu.wait_indirect_dma semaphore(%arg7 : memref<!tpu.dma_semaphore, #tpu.memory_space<semaphore_mem>>) src(%dma_wait3A_8 : memref<8192x256xf32, #tpu.memory_space<hbm>>) dst(%arg6 : memref<128x256xf32, #tpu.memory_space<vmem>>)
    "tpu.region"() ({
      %run_scoped3A = tpu.sem_alloc : memref<!tpu.dma_semaphore, #tpu.memory_space<semaphore_mem>>
      %dma_start3A_39 = arith.constant 0 : i32
      %dma_start3A_40 = tpu.memref_slice %arg4[%add3A_4, %dma_start3A_39] : memref<16384x256xf32, #tpu.memory_space<hbm>> -> memref<128x256xf32, #tpu.memory_space<hbm>>
      %dma_start3A_41 = arith.constant 0 : i32
      %dma_start3A_42 = tpu.memref_slice %arg4[%add3A_4, %dma_start3A_41] : memref<16384x256xf32, #tpu.memory_space<hbm>> -> memref<128x256xf32, #tpu.memory_space<hbm>>
      tpu.enqueue_dma source(%arg6 : memref<128x256xf32, #tpu.memory_space<vmem>>) target(%dma_start3A_42 : memref<128x256xf32, #tpu.memory_space<hbm>>) target_semaphore(%run_scoped3A : memref<!tpu.dma_semaphore, #tpu.memory_space<semaphore_mem>>)
      %dma_wait3A_43 = arith.constant 0 : i32
      %dma_wait3A_44 = tpu.memref_slice %arg4[%add3A_4, %dma_wait3A_43] : memref<16384x256xf32, #tpu.memory_space<hbm>> -> memref<128x256xf32, #tpu.memory_space<hbm>>
      %dma_wait3A_45 = arith.constant 0 : i32
      %dma_wait3A_46 = tpu.memref_slice %arg4[%add3A_4, %dma_wait3A_45] : memref<16384x256xf32, #tpu.memory_space<hbm>> -> memref<128x256xf32, #tpu.memory_space<hbm>>
      tpu.wait_dma2 semaphore(%run_scoped3A : memref<!tpu.dma_semaphore, #tpu.memory_space<semaphore_mem>>) src(%arg6 : memref<128x256xf32, #tpu.memory_space<vmem>>) dst(%dma_wait3A_46 : memref<128x256xf32, #tpu.memory_space<hbm>>)
      tpu.yield
    }) : () -> ()
    %mul3A_9 = arith.constant 512 : i32
    %mul3A_10 = arith.muli %add3A, %mul3A_9 : i32
    %add3A_11 = arith.constant 128 : i32
    %add3A_12 = arith.addi %mul3A_10, %add3A_11 : i32
    "tpu.region"() ({
      %run_scoped3A = tpu.sem_alloc : memref<!tpu.dma_semaphore, #tpu.memory_space<semaphore_mem>>
      %dma_start3A_39 = tpu.memref_slice %arg3[%add3A_12] : memref<16384xi32, #tpu.memory_space<hbm>> -> memref<128xi32, #tpu.memory_space<hbm>>
      %dma_start3A_40 = tpu.memref_slice %arg3[%add3A_12] : memref<16384xi32, #tpu.memory_space<hbm>> -> memref<128xi32, #tpu.memory_space<hbm>>
      tpu.enqueue_dma source(%dma_start3A_40 : memref<128xi32, #tpu.memory_space<hbm>>) target(%arg5 : memref<128xi32, #tpu.memory_space<vmem>>) target_semaphore(%run_scoped3A : memref<!tpu.dma_semaphore, #tpu.memory_space<semaphore_mem>>)
      %dma_wait3A_41 = tpu.memref_slice %arg3[%add3A_12] : memref<16384xi32, #tpu.memory_space<hbm>> -> memref<128xi32, #tpu.memory_space<hbm>>
      %dma_wait3A_42 = tpu.memref_slice %arg3[%add3A_12] : memref<16384xi32, #tpu.memory_space<hbm>> -> memref<128xi32, #tpu.memory_space<hbm>>
      tpu.wait_dma2 semaphore(%run_scoped3A : memref<!tpu.dma_semaphore, #tpu.memory_space<semaphore_mem>>) src(%dma_wait3A_42 : memref<128xi32, #tpu.memory_space<hbm>>) dst(%arg5 : memref<128xi32, #tpu.memory_space<vmem>>)
      tpu.yield
    }) : () -> ()
    %dma_start3A_13 = arith.constant 0 : i32
    %dma_start3A_14 = arith.constant 0 : i32
    %dma_start3A_15 = tpu.memref_slice %arg2[%dma_start3A_13, %dma_start3A_14] : memref<8192x256xf32, #tpu.memory_space<hbm>> -> memref<8192x256xf32, #tpu.memory_space<hbm>>
    tpu.enqueue_indirect_dma source(%dma_start3A_15 : memref<8192x256xf32, #tpu.memory_space<hbm>>) target(%arg6 : memref<128x256xf32, #tpu.memory_space<vmem>>) offsets(%arg5 : memref<128xi32, #tpu.memory_space<vmem>>) semaphore(%arg7 : memref<!tpu.dma_semaphore, #tpu.memory_space<semaphore_mem>>)
    %dma_wait3A_16 = arith.constant 0 : i32
    %dma_wait3A_17 = arith.constant 0 : i32
    %dma_wait3A_18 = tpu.memref_slice %arg2[%dma_wait3A_16, %dma_wait3A_17] : memref<8192x256xf32, #tpu.memory_space<hbm>> -> memref<8192x256xf32, #tpu.memory_space<hbm>>
    tpu.wait_indirect_dma semaphore(%arg7 : memref<!tpu.dma_semaphore, #tpu.memory_space<semaphore_mem>>) src(%dma_wait3A_18 : memref<8192x256xf32, #tpu.memory_space<hbm>>) dst(%arg6 : memref<128x256xf32, #tpu.memory_space<vmem>>)
    "tpu.region"() ({
      %run_scoped3A = tpu.sem_alloc : memref<!tpu.dma_semaphore, #tpu.memory_space<semaphore_mem>>
      %dma_start3A_39 = arith.constant 0 : i32
      %dma_start3A_40 = tpu.memref_slice %arg4[%add3A_12, %dma_start3A_39] : memref<16384x256xf32, #tpu.memory_space<hbm>> -> memref<128x256xf32, #tpu.memory_space<hbm>>
      %dma_start3A_41 = arith.constant 0 : i32
      %dma_start3A_42 = tpu.memref_slice %arg4[%add3A_12, %dma_start3A_41] : memref<16384x256xf32, #tpu.memory_space<hbm>> -> memref<128x256xf32, #tpu.memory_space<hbm>>
      tpu.enqueue_dma source(%arg6 : memref<128x256xf32, #tpu.memory_space<vmem>>) target(%dma_start3A_42 : memref<128x256xf32, #tpu.memory_space<hbm>>) target_semaphore(%run_scoped3A : memref<!tpu.dma_semaphore, #tpu.memory_space<semaphore_mem>>)
      %dma_wait3A_43 = arith.constant 0 : i32
      %dma_wait3A_44 = tpu.memref_slice %arg4[%add3A_12, %dma_wait3A_43] : memref<16384x256xf32, #tpu.memory_space<hbm>> -> memref<128x256xf32, #tpu.memory_space<hbm>>
      %dma_wait3A_45 = arith.constant 0 : i32
      %dma_wait3A_46 = tpu.memref_slice %arg4[%add3A_12, %dma_wait3A_45] : memref<16384x256xf32, #tpu.memory_space<hbm>> -> memref<128x256xf32, #tpu.memory_space<hbm>>
      tpu.wait_dma2 semaphore(%run_scoped3A : memref<!tpu.dma_semaphore, #tpu.memory_space<semaphore_mem>>) src(%arg6 : memref<128x256xf32, #tpu.memory_space<vmem>>) dst(%dma_wait3A_46 : memref<128x256xf32, #tpu.memory_space<hbm>>)
      tpu.yield
    }) : () -> ()
    %mul3A_19 = arith.constant 512 : i32
    %mul3A_20 = arith.muli %add3A, %mul3A_19 : i32
    %add3A_21 = arith.constant 256 : i32
    %add3A_22 = arith.addi %mul3A_20, %add3A_21 : i32
    "tpu.region"() ({
      %run_scoped3A = tpu.sem_alloc : memref<!tpu.dma_semaphore, #tpu.memory_space<semaphore_mem>>
      %dma_start3A_39 = tpu.memref_slice %arg3[%add3A_22] : memref<16384xi32, #tpu.memory_space<hbm>> -> memref<128xi32, #tpu.memory_space<hbm>>
      %dma_start3A_40 = tpu.memref_slice %arg3[%add3A_22] : memref<16384xi32, #tpu.memory_space<hbm>> -> memref<128xi32, #tpu.memory_space<hbm>>
      tpu.enqueue_dma source(%dma_start3A_40 : memref<128xi32, #tpu.memory_space<hbm>>) target(%arg5 : memref<128xi32, #tpu.memory_space<vmem>>) target_semaphore(%run_scoped3A : memref<!tpu.dma_semaphore, #tpu.memory_space<semaphore_mem>>)
      %dma_wait3A_41 = tpu.memref_slice %arg3[%add3A_22] : memref<16384xi32, #tpu.memory_space<hbm>> -> memref<128xi32, #tpu.memory_space<hbm>>
      %dma_wait3A_42 = tpu.memref_slice %arg3[%add3A_22] : memref<16384xi32, #tpu.memory_space<hbm>> -> memref<128xi32, #tpu.memory_space<hbm>>
      tpu.wait_dma2 semaphore(%run_scoped3A : memref<!tpu.dma_semaphore, #tpu.memory_space<semaphore_mem>>) src(%dma_wait3A_42 : memref<128xi32, #tpu.memory_space<hbm>>) dst(%arg5 : memref<128xi32, #tpu.memory_space<vmem>>)
      tpu.yield
    }) : () -> ()
    %dma_start3A_23 = arith.constant 0 : i32
    %dma_start3A_24 = arith.constant 0 : i32
    %dma_start3A_25 = tpu.memref_slice %arg2[%dma_start3A_23, %dma_start3A_24] : memref<8192x256xf32, #tpu.memory_space<hbm>> -> memref<8192x256xf32, #tpu.memory_space<hbm>>
    tpu.enqueue_indirect_dma source(%dma_start3A_25 : memref<8192x256xf32, #tpu.memory_space<hbm>>) target(%arg6 : memref<128x256xf32, #tpu.memory_space<vmem>>) offsets(%arg5 : memref<128xi32, #tpu.memory_space<vmem>>) semaphore(%arg7 : memref<!tpu.dma_semaphore, #tpu.memory_space<semaphore_mem>>)
    %dma_wait3A_26 = arith.constant 0 : i32
    %dma_wait3A_27 = arith.constant 0 : i32
    %dma_wait3A_28 = tpu.memref_slice %arg2[%dma_wait3A_26, %dma_wait3A_27] : memref<8192x256xf32, #tpu.memory_space<hbm>> -> memref<8192x256xf32, #tpu.memory_space<hbm>>
    tpu.wait_indirect_dma semaphore(%arg7 : memref<!tpu.dma_semaphore, #tpu.memory_space<semaphore_mem>>) src(%dma_wait3A_28 : memref<8192x256xf32, #tpu.memory_space<hbm>>) dst(%arg6 : memref<128x256xf32, #tpu.memory_space<vmem>>)
    "tpu.region"() ({
      %run_scoped3A = tpu.sem_alloc : memref<!tpu.dma_semaphore, #tpu.memory_space<semaphore_mem>>
      %dma_start3A_39 = arith.constant 0 : i32
      %dma_start3A_40 = tpu.memref_slice %arg4[%add3A_22, %dma_start3A_39] : memref<16384x256xf32, #tpu.memory_space<hbm>> -> memref<128x256xf32, #tpu.memory_space<hbm>>
      %dma_start3A_41 = arith.constant 0 : i32
      %dma_start3A_42 = tpu.memref_slice %arg4[%add3A_22, %dma_start3A_41] : memref<16384x256xf32, #tpu.memory_space<hbm>> -> memref<128x256xf32, #tpu.memory_space<hbm>>
      tpu.enqueue_dma source(%arg6 : memref<128x256xf32, #tpu.memory_space<vmem>>) target(%dma_start3A_42 : memref<128x256xf32, #tpu.memory_space<hbm>>) target_semaphore(%run_scoped3A : memref<!tpu.dma_semaphore, #tpu.memory_space<semaphore_mem>>)
      %dma_wait3A_43 = arith.constant 0 : i32
      %dma_wait3A_44 = tpu.memref_slice %arg4[%add3A_22, %dma_wait3A_43] : memref<16384x256xf32, #tpu.memory_space<hbm>> -> memref<128x256xf32, #tpu.memory_space<hbm>>
      %dma_wait3A_45 = arith.constant 0 : i32
      %dma_wait3A_46 = tpu.memref_slice %arg4[%add3A_22, %dma_wait3A_45] : memref<16384x256xf32, #tpu.memory_space<hbm>> -> memref<128x256xf32, #tpu.memory_space<hbm>>
      tpu.wait_dma2 semaphore(%run_scoped3A : memref<!tpu.dma_semaphore, #tpu.memory_space<semaphore_mem>>) src(%arg6 : memref<128x256xf32, #tpu.memory_space<vmem>>) dst(%dma_wait3A_46 : memref<128x256xf32, #tpu.memory_space<hbm>>)
      tpu.yield
    }) : () -> ()
    %mul3A_29 = arith.constant 512 : i32
    %mul3A_30 = arith.muli %add3A, %mul3A_29 : i32
    %add3A_31 = arith.constant 384 : i32
    %add3A_32 = arith.addi %mul3A_30, %add3A_31 : i32
    "tpu.region"() ({
      %run_scoped3A = tpu.sem_alloc : memref<!tpu.dma_semaphore, #tpu.memory_space<semaphore_mem>>
      %dma_start3A_39 = tpu.memref_slice %arg3[%add3A_32] : memref<16384xi32, #tpu.memory_space<hbm>> -> memref<128xi32, #tpu.memory_space<hbm>>
      %dma_start3A_40 = tpu.memref_slice %arg3[%add3A_32] : memref<16384xi32, #tpu.memory_space<hbm>> -> memref<128xi32, #tpu.memory_space<hbm>>
      tpu.enqueue_dma source(%dma_start3A_40 : memref<128xi32, #tpu.memory_space<hbm>>) target(%arg5 : memref<128xi32, #tpu.memory_space<vmem>>) target_semaphore(%run_scoped3A : memref<!tpu.dma_semaphore, #tpu.memory_space<semaphore_mem>>)
      %dma_wait3A_41 = tpu.memref_slice %arg3[%add3A_32] : memref<16384xi32, #tpu.memory_space<hbm>> -> memref<128xi32, #tpu.memory_space<hbm>>
      %dma_wait3A_42 = tpu.memref_slice %arg3[%add3A_32] : memref<16384xi32, #tpu.memory_space<hbm>> -> memref<128xi32, #tpu.memory_space<hbm>>
      tpu.wait_dma2 semaphore(%run_scoped3A : memref<!tpu.dma_semaphore, #tpu.memory_space<semaphore_mem>>) src(%dma_wait3A_42 : memref<128xi32, #tpu.memory_space<hbm>>) dst(%arg5 : memref<128xi32, #tpu.memory_space<vmem>>)
      tpu.yield
    }) : () -> ()
    %dma_start3A_33 = arith.constant 0 : i32
    %dma_start3A_34 = arith.constant 0 : i32
    %dma_start3A_35 = tpu.memref_slice %arg2[%dma_start3A_33, %dma_start3A_34] : memref<8192x256xf32, #tpu.memory_space<hbm>> -> memref<8192x256xf32, #tpu.memory_space<hbm>>
    tpu.enqueue_indirect_dma source(%dma_start3A_35 : memref<8192x256xf32, #tpu.memory_space<hbm>>) target(%arg6 : memref<128x256xf32, #tpu.memory_space<vmem>>) offsets(%arg5 : memref<128xi32, #tpu.memory_space<vmem>>) semaphore(%arg7 : memref<!tpu.dma_semaphore, #tpu.memory_space<semaphore_mem>>)
    %dma_wait3A_36 = arith.constant 0 : i32
    %dma_wait3A_37 = arith.constant 0 : i32
    %dma_wait3A_38 = tpu.memref_slice %arg2[%dma_wait3A_36, %dma_wait3A_37] : memref<8192x256xf32, #tpu.memory_space<hbm>> -> memref<8192x256xf32, #tpu.memory_space<hbm>>
    tpu.wait_indirect_dma semaphore(%arg7 : memref<!tpu.dma_semaphore, #tpu.memory_space<semaphore_mem>>) src(%dma_wait3A_38 : memref<8192x256xf32, #tpu.memory_space<hbm>>) dst(%arg6 : memref<128x256xf32, #tpu.memory_space<vmem>>)
    "tpu.region"() ({
      %run_scoped3A = tpu.sem_alloc : memref<!tpu.dma_semaphore, #tpu.memory_space<semaphore_mem>>
      %dma_start3A_39 = arith.constant 0 : i32
      %dma_start3A_40 = tpu.memref_slice %arg4[%add3A_32, %dma_start3A_39] : memref<16384x256xf32, #tpu.memory_space<hbm>> -> memref<128x256xf32, #tpu.memory_space<hbm>>
      %dma_start3A_41 = arith.constant 0 : i32
      %dma_start3A_42 = tpu.memref_slice %arg4[%add3A_32, %dma_start3A_41] : memref<16384x256xf32, #tpu.memory_space<hbm>> -> memref<128x256xf32, #tpu.memory_space<hbm>>
      tpu.enqueue_dma source(%arg6 : memref<128x256xf32, #tpu.memory_space<vmem>>) target(%dma_start3A_42 : memref<128x256xf32, #tpu.memory_space<hbm>>) target_semaphore(%run_scoped3A : memref<!tpu.dma_semaphore, #tpu.memory_space<semaphore_mem>>)
      %dma_wait3A_43 = arith.constant 0 : i32
      %dma_wait3A_44 = tpu.memref_slice %arg4[%add3A_32, %dma_wait3A_43] : memref<16384x256xf32, #tpu.memory_space<hbm>> -> memref<128x256xf32, #tpu.memory_space<hbm>>
      %dma_wait3A_45 = arith.constant 0 : i32
      %dma_wait3A_46 = tpu.memref_slice %arg4[%add3A_32, %dma_wait3A_45] : memref<16384x256xf32, #tpu.memory_space<hbm>> -> memref<128x256xf32, #tpu.memory_space<hbm>>
      tpu.wait_dma2 semaphore(%run_scoped3A : memref<!tpu.dma_semaphore, #tpu.memory_space<semaphore_mem>>) src(%arg6 : memref<128x256xf32, #tpu.memory_space<vmem>>) dst(%dma_wait3A_46 : memref<128x256xf32, #tpu.memory_space<hbm>>)
      tpu.yield
    }) : () -> ()
    return
  }
}

module attributes {stable_mosaic.version = 14 : i64} {
  func.func @_argmin_body(%arg0: i32, %arg1: i32, %arg2: memref<512x256xf32, #tpu.memory_space<vmem>>, %arg3: memref<8192x256xf32, #tpu.memory_space<vmem>>, %arg4: memref<1x512xf32, #tpu.memory_space<vmem>>, %arg5: memref<8192x1xf32, #tpu.memory_space<vmem>>, %arg6: memref<512xi32, #tpu.memory_space<vmem>>, %arg7: memref<512xf32, #tpu.memory_space<vmem>>, %arg8: memref<8x512xf32, #tpu.memory_space<vmem>>, %arg9: memref<8x512xf32, #tpu.memory_space<vmem>>) attributes {dimension_semantics = [#tpu.dimension_semantics<arbitrary>, #tpu.dimension_semantics<arbitrary>], iteration_bounds = array<i64: 32, 16>, scalar_prefetch = 0 : i64, scratch_operands = 2 : i64, tpu.core_type = #tpu.core_type<tc>, window_params = [{transform_indices = @transform_0, window_bounds = array<i64: 512, 256>}, {pipeline_mode = #tpu.pipeline_mode<synchronous>, transform_indices = @transform_1, window_bounds = array<i64: 8192, 256>}, {transform_indices = @transform_2, window_bounds = array<i64: 1, 512>}, {pipeline_mode = #tpu.pipeline_mode<synchronous>, transform_indices = @transform_3, window_bounds = array<i64: 8192, 1>}, {transform_indices = @transform_4, window_bounds = array<i64: 512>}, {transform_indices = @transform_5, window_bounds = array<i64: 512>}]} {
    %mul3A = arith.constant 512 : i32
    %mul3A_0 = arith.muli %arg1, %mul3A : i32
    %get3A = arith.index_cast %mul3A_0 : i32 to index
    %get3A_1 = arith.constant 0 : index
    %get3A_2 = vector.load %arg3[%get3A, %get3A_1] : memref<8192x256xf32, #tpu.memory_space<vmem>>, vector<512x256xf32>
    %get3A_3 = arith.constant 0 : index
    %get3A_4 = arith.constant 0 : index
    %get3A_5 = vector.load %arg2[%get3A_3, %get3A_4] : memref<512x256xf32, #tpu.memory_space<vmem>>, vector<512x256xf32>
    %dot_general3A = arith.constant dense<0.000000e+00> : vector<512x512xf32>
    %dot_general3A_6 = tpu.matmul %get3A_2, %get3A_5, %dot_general3A {dimension_numbers = #tpu.dot_dimension_numbers<[1], [1], [0], [0], [0, 0, 1, 0], [], []>, transpose_lhs_hint = false} : vector<512x256xf32>, vector<512x256xf32>, vector<512x512xf32> -> vector<512x512xf32>
    %mul3A_7 = arith.constant 512 : i32
    %mul3A_8 = arith.muli %arg1, %mul3A_7 : i32
    %get3A_9 = arith.index_cast %mul3A_8 : i32 to index
    %get3A_10 = arith.constant 0 : index
    %get3A_11 = vector.load %arg5[%get3A_9, %get3A_10] : memref<8192x1xf32, #tpu.memory_space<vmem>>, vector<512x1xf32>
    %get3A_12 = arith.constant 0 : index
    %get3A_13 = arith.constant 0 : index
    %get3A_14 = vector.load %arg4[%get3A_12, %get3A_13] : memref<1x512xf32, #tpu.memory_space<vmem>>, vector<1x512xf32>
    %iota3A = tpu.iota {dimensions = array<i32: 0>} : vector<8x512xi32>
    %convert_element_type3A = arith.sitofp %iota3A : vector<8x512xi32> to vector<8x512xf32>
    %broadcast_in_dim3A = arith.constant 0x7F800000 : f32
    %broadcast_in_dim3A_15 = vector.broadcast %broadcast_in_dim3A : f32 to vector<8x512xf32>
    %broadcast_in_dim3A_16 = arith.constant 0.000000e+00 : f32
    %broadcast_in_dim3A_17 = vector.broadcast %broadcast_in_dim3A_16 : f32 to vector<8x512xf32>
    %eq3A = arith.constant 0 : i32
    %eq3A_18 = arith.cmpi eq, %arg1, %eq3A : i32
    %get3A_19 = arith.constant 0 : index
    %get3A_20 = arith.constant 0 : index
    %get3A_21 = vector.load %arg8[%get3A_19, %get3A_20] : memref<8x512xf32, #tpu.memory_space<vmem>>, vector<8x512xf32>
    %select_n3A = arith.select %eq3A_18, %broadcast_in_dim3A_15, %get3A_21 : vector<8x512xf32>
    %eq3A_22 = arith.constant 0 : i32
    %eq3A_23 = arith.cmpi eq, %arg1, %eq3A_22 : i32
    %get3A_24 = arith.constant 0 : index
    %get3A_25 = arith.constant 0 : index
    %get3A_26 = vector.load %arg9[%get3A_24, %get3A_25] : memref<8x512xf32, #tpu.memory_space<vmem>>, vector<8x512xf32>
    %select_n3A_27 = arith.select %eq3A_23, %broadcast_in_dim3A_17, %get3A_26 : vector<8x512xf32>
    %slice3A = vector.extract_strided_slice %dot_general3A_6 {offsets = [0, 0], sizes = [8, 512], strides = [1, 1]} : vector<512x512xf32> to vector<8x512xf32>
    %slice3A_28 = vector.extract_strided_slice %get3A_11 {offsets = [0, 0], sizes = [8, 1], strides = [1, 1]} : vector<512x1xf32> to vector<8x1xf32>
    %add3A = vector.broadcast %get3A_14 : vector<1x512xf32> to vector<8x512xf32>
    %add3A_29 = vector.broadcast %slice3A_28 : vector<8x1xf32> to vector<8x512xf32>
    %add3A_30 = arith.addf %add3A, %add3A_29 : vector<8x512xf32>
    %sub3A = arith.subf %add3A_30, %slice3A : vector<8x512xf32>
    %mul3A_31 = arith.constant 512 : i32
    %mul3A_32 = arith.muli %arg1, %mul3A_31 : i32
    %add3A_33 = arith.constant 0 : i32
    %add3A_34 = arith.addi %mul3A_32, %add3A_33 : i32
    %convert_element_type3A_35 = arith.sitofp %add3A_34 : i32 to f32
    %add3A_36 = vector.broadcast %convert_element_type3A_35 : f32 to vector<8x512xf32>
    %add3A_37 = arith.addf %convert_element_type3A, %add3A_36 : vector<8x512xf32>
    %lt3A = arith.cmpf olt, %sub3A, %select_n3A : vector<8x512xf32>
    %select_n3A_38 = arith.select %lt3A, %sub3A, %select_n3A : vector<8x512xi1>, vector<8x512xf32>
    %select_n3A_39 = arith.select %lt3A, %add3A_37, %select_n3A_27 : vector<8x512xi1>, vector<8x512xf32>
    %slice3A_40 = vector.extract_strided_slice %dot_general3A_6 {offsets = [8, 0], sizes = [8, 512], strides = [1, 1]} : vector<512x512xf32> to vector<8x512xf32>
    %slice3A_41 = vector.extract_strided_slice %get3A_11 {offsets = [8, 0], sizes = [8, 1], strides = [1, 1]} : vector<512x1xf32> to vector<8x1xf32>
    %add3A_42 = vector.broadcast %get3A_14 : vector<1x512xf32> to vector<8x512xf32>
    %add3A_43 = vector.broadcast %slice3A_41 : vector<8x1xf32> to vector<8x512xf32>
    %add3A_44 = arith.addf %add3A_42, %add3A_43 : vector<8x512xf32>
    %sub3A_45 = arith.subf %add3A_44, %slice3A_40 : vector<8x512xf32>
    %mul3A_46 = arith.constant 512 : i32
    %mul3A_47 = arith.muli %arg1, %mul3A_46 : i32
    %add3A_48 = arith.constant 8 : i32
    %add3A_49 = arith.addi %mul3A_47, %add3A_48 : i32
    %convert_element_type3A_50 = arith.sitofp %add3A_49 : i32 to f32
    %add3A_51 = vector.broadcast %convert_element_type3A_50 : f32 to vector<8x512xf32>
    %add3A_52 = arith.addf %convert_element_type3A, %add3A_51 : vector<8x512xf32>
    %lt3A_53 = arith.cmpf olt, %sub3A_45, %select_n3A_38 : vector<8x512xf32>
    %select_n3A_54 = arith.select %lt3A_53, %sub3A_45, %select_n3A_38 : vector<8x512xi1>, vector<8x512xf32>
    %select_n3A_55 = arith.select %lt3A_53, %add3A_52, %select_n3A_39 : vector<8x512xi1>, vector<8x512xf32>
    %slice3A_56 = vector.extract_strided_slice %dot_general3A_6 {offsets = [16, 0], sizes = [8, 512], strides = [1, 1]} : vector<512x512xf32> to vector<8x512xf32>
    %slice3A_57 = vector.extract_strided_slice %get3A_11 {offsets = [16, 0], sizes = [8, 1], strides = [1, 1]} : vector<512x1xf32> to vector<8x1xf32>
    %add3A_58 = vector.broadcast %get3A_14 : vector<1x512xf32> to vector<8x512xf32>
    %add3A_59 = vector.broadcast %slice3A_57 : vector<8x1xf32> to vector<8x512xf32>
    %add3A_60 = arith.addf %add3A_58, %add3A_59 : vector<8x512xf32>
    %sub3A_61 = arith.subf %add3A_60, %slice3A_56 : vector<8x512xf32>
    %mul3A_62 = arith.constant 512 : i32
    %mul3A_63 = arith.muli %arg1, %mul3A_62 : i32
    %add3A_64 = arith.constant 16 : i32
    %add3A_65 = arith.addi %mul3A_63, %add3A_64 : i32
    %convert_element_type3A_66 = arith.sitofp %add3A_65 : i32 to f32
    %add3A_67 = vector.broadcast %convert_element_type3A_66 : f32 to vector<8x512xf32>
    %add3A_68 = arith.addf %convert_element_type3A, %add3A_67 : vector<8x512xf32>
    %lt3A_69 = arith.cmpf olt, %sub3A_61, %select_n3A_54 : vector<8x512xf32>
    %select_n3A_70 = arith.select %lt3A_69, %sub3A_61, %select_n3A_54 : vector<8x512xi1>, vector<8x512xf32>
    %select_n3A_71 = arith.select %lt3A_69, %add3A_68, %select_n3A_55 : vector<8x512xi1>, vector<8x512xf32>
    %slice3A_72 = vector.extract_strided_slice %dot_general3A_6 {offsets = [24, 0], sizes = [8, 512], strides = [1, 1]} : vector<512x512xf32> to vector<8x512xf32>
    %slice3A_73 = vector.extract_strided_slice %get3A_11 {offsets = [24, 0], sizes = [8, 1], strides = [1, 1]} : vector<512x1xf32> to vector<8x1xf32>
    %add3A_74 = vector.broadcast %get3A_14 : vector<1x512xf32> to vector<8x512xf32>
    %add3A_75 = vector.broadcast %slice3A_73 : vector<8x1xf32> to vector<8x512xf32>
    %add3A_76 = arith.addf %add3A_74, %add3A_75 : vector<8x512xf32>
    %sub3A_77 = arith.subf %add3A_76, %slice3A_72 : vector<8x512xf32>
    %mul3A_78 = arith.constant 512 : i32
    %mul3A_79 = arith.muli %arg1, %mul3A_78 : i32
    %add3A_80 = arith.constant 24 : i32
    %add3A_81 = arith.addi %mul3A_79, %add3A_80 : i32
    %convert_element_type3A_82 = arith.sitofp %add3A_81 : i32 to f32
    %add3A_83 = vector.broadcast %convert_element_type3A_82 : f32 to vector<8x512xf32>
    %add3A_84 = arith.addf %convert_element_type3A, %add3A_83 : vector<8x512xf32>
    %lt3A_85 = arith.cmpf olt, %sub3A_77, %select_n3A_70 : vector<8x512xf32>
    %select_n3A_86 = arith.select %lt3A_85, %sub3A_77, %select_n3A_70 : vector<8x512xi1>, vector<8x512xf32>
    %select_n3A_87 = arith.select %lt3A_85, %add3A_84, %select_n3A_71 : vector<8x512xi1>, vector<8x512xf32>
    %slice3A_88 = vector.extract_strided_slice %dot_general3A_6 {offsets = [32, 0], sizes = [8, 512], strides = [1, 1]} : vector<512x512xf32> to vector<8x512xf32>
    %slice3A_89 = vector.extract_strided_slice %get3A_11 {offsets = [32, 0], sizes = [8, 1], strides = [1, 1]} : vector<512x1xf32> to vector<8x1xf32>
    %add3A_90 = vector.broadcast %get3A_14 : vector<1x512xf32> to vector<8x512xf32>
    %add3A_91 = vector.broadcast %slice3A_89 : vector<8x1xf32> to vector<8x512xf32>
    %add3A_92 = arith.addf %add3A_90, %add3A_91 : vector<8x512xf32>
    %sub3A_93 = arith.subf %add3A_92, %slice3A_88 : vector<8x512xf32>
    %mul3A_94 = arith.constant 512 : i32
    %mul3A_95 = arith.muli %arg1, %mul3A_94 : i32
    %add3A_96 = arith.constant 32 : i32
    %add3A_97 = arith.addi %mul3A_95, %add3A_96 : i32
    %convert_element_type3A_98 = arith.sitofp %add3A_97 : i32 to f32
    %add3A_99 = vector.broadcast %convert_element_type3A_98 : f32 to vector<8x512xf32>
    %add3A_100 = arith.addf %convert_element_type3A, %add3A_99 : vector<8x512xf32>
    %lt3A_101 = arith.cmpf olt, %sub3A_93, %select_n3A_86 : vector<8x512xf32>
    %select_n3A_102 = arith.select %lt3A_101, %sub3A_93, %select_n3A_86 : vector<8x512xi1>, vector<8x512xf32>
    %select_n3A_103 = arith.select %lt3A_101, %add3A_100, %select_n3A_87 : vector<8x512xi1>, vector<8x512xf32>
    %slice3A_104 = vector.extract_strided_slice %dot_general3A_6 {offsets = [40, 0], sizes = [8, 512], strides = [1, 1]} : vector<512x512xf32> to vector<8x512xf32>
    %slice3A_105 = vector.extract_strided_slice %get3A_11 {offsets = [40, 0], sizes = [8, 1], strides = [1, 1]} : vector<512x1xf32> to vector<8x1xf32>
    %add3A_106 = vector.broadcast %get3A_14 : vector<1x512xf32> to vector<8x512xf32>
    %add3A_107 = vector.broadcast %slice3A_105 : vector<8x1xf32> to vector<8x512xf32>
    %add3A_108 = arith.addf %add3A_106, %add3A_107 : vector<8x512xf32>
    %sub3A_109 = arith.subf %add3A_108, %slice3A_104 : vector<8x512xf32>
    %mul3A_110 = arith.constant 512 : i32
    %mul3A_111 = arith.muli %arg1, %mul3A_110 : i32
    %add3A_112 = arith.constant 40 : i32
    %add3A_113 = arith.addi %mul3A_111, %add3A_112 : i32
    %convert_element_type3A_114 = arith.sitofp %add3A_113 : i32 to f32
    %add3A_115 = vector.broadcast %convert_element_type3A_114 : f32 to vector<8x512xf32>
    %add3A_116 = arith.addf %convert_element_type3A, %add3A_115 : vector<8x512xf32>
    %lt3A_117 = arith.cmpf olt, %sub3A_109, %select_n3A_102 : vector<8x512xf32>
    %select_n3A_118 = arith.select %lt3A_117, %sub3A_109, %select_n3A_102 : vector<8x512xi1>, vector<8x512xf32>
    %select_n3A_119 = arith.select %lt3A_117, %add3A_116, %select_n3A_103 : vector<8x512xi1>, vector<8x512xf32>
    %slice3A_120 = vector.extract_strided_slice %dot_general3A_6 {offsets = [48, 0], sizes = [8, 512], strides = [1, 1]} : vector<512x512xf32> to vector<8x512xf32>
    %slice3A_121 = vector.extract_strided_slice %get3A_11 {offsets = [48, 0], sizes = [8, 1], strides = [1, 1]} : vector<512x1xf32> to vector<8x1xf32>
    %add3A_122 = vector.broadcast %get3A_14 : vector<1x512xf32> to vector<8x512xf32>
    %add3A_123 = vector.broadcast %slice3A_121 : vector<8x1xf32> to vector<8x512xf32>
    %add3A_124 = arith.addf %add3A_122, %add3A_123 : vector<8x512xf32>
    %sub3A_125 = arith.subf %add3A_124, %slice3A_120 : vector<8x512xf32>
    %mul3A_126 = arith.constant 512 : i32
    %mul3A_127 = arith.muli %arg1, %mul3A_126 : i32
    %add3A_128 = arith.constant 48 : i32
    %add3A_129 = arith.addi %mul3A_127, %add3A_128 : i32
    %convert_element_type3A_130 = arith.sitofp %add3A_129 : i32 to f32
    %add3A_131 = vector.broadcast %convert_element_type3A_130 : f32 to vector<8x512xf32>
    %add3A_132 = arith.addf %convert_element_type3A, %add3A_131 : vector<8x512xf32>
    %lt3A_133 = arith.cmpf olt, %sub3A_125, %select_n3A_118 : vector<8x512xf32>
    %select_n3A_134 = arith.select %lt3A_133, %sub3A_125, %select_n3A_118 : vector<8x512xi1>, vector<8x512xf32>
    %select_n3A_135 = arith.select %lt3A_133, %add3A_132, %select_n3A_119 : vector<8x512xi1>, vector<8x512xf32>
    %slice3A_136 = vector.extract_strided_slice %dot_general3A_6 {offsets = [56, 0], sizes = [8, 512], strides = [1, 1]} : vector<512x512xf32> to vector<8x512xf32>
    %slice3A_137 = vector.extract_strided_slice %get3A_11 {offsets = [56, 0], sizes = [8, 1], strides = [1, 1]} : vector<512x1xf32> to vector<8x1xf32>
    %add3A_138 = vector.broadcast %get3A_14 : vector<1x512xf32> to vector<8x512xf32>
    %add3A_139 = vector.broadcast %slice3A_137 : vector<8x1xf32> to vector<8x512xf32>
    %add3A_140 = arith.addf %add3A_138, %add3A_139 : vector<8x512xf32>
    %sub3A_141 = arith.subf %add3A_140, %slice3A_136 : vector<8x512xf32>
    %mul3A_142 = arith.constant 512 : i32
    %mul3A_143 = arith.muli %arg1, %mul3A_142 : i32
    %add3A_144 = arith.constant 56 : i32
    %add3A_145 = arith.addi %mul3A_143, %add3A_144 : i32
    %convert_element_type3A_146 = arith.sitofp %add3A_145 : i32 to f32
    %add3A_147 = vector.broadcast %convert_element_type3A_146 : f32 to vector<8x512xf32>
    %add3A_148 = arith.addf %convert_element_type3A, %add3A_147 : vector<8x512xf32>
    %lt3A_149 = arith.cmpf olt, %sub3A_141, %select_n3A_134 : vector<8x512xf32>
    %select_n3A_150 = arith.select %lt3A_149, %sub3A_141, %select_n3A_134 : vector<8x512xi1>, vector<8x512xf32>
    %select_n3A_151 = arith.select %lt3A_149, %add3A_148, %select_n3A_135 : vector<8x512xi1>, vector<8x512xf32>
    %slice3A_152 = vector.extract_strided_slice %dot_general3A_6 {offsets = [64, 0], sizes = [8, 512], strides = [1, 1]} : vector<512x512xf32> to vector<8x512xf32>
    %slice3A_153 = vector.extract_strided_slice %get3A_11 {offsets = [64, 0], sizes = [8, 1], strides = [1, 1]} : vector<512x1xf32> to vector<8x1xf32>
    %add3A_154 = vector.broadcast %get3A_14 : vector<1x512xf32> to vector<8x512xf32>
    %add3A_155 = vector.broadcast %slice3A_153 : vector<8x1xf32> to vector<8x512xf32>
    %add3A_156 = arith.addf %add3A_154, %add3A_155 : vector<8x512xf32>
    %sub3A_157 = arith.subf %add3A_156, %slice3A_152 : vector<8x512xf32>
    %mul3A_158 = arith.constant 512 : i32
    %mul3A_159 = arith.muli %arg1, %mul3A_158 : i32
    %add3A_160 = arith.constant 64 : i32
    %add3A_161 = arith.addi %mul3A_159, %add3A_160 : i32
    %convert_element_type3A_162 = arith.sitofp %add3A_161 : i32 to f32
    %add3A_163 = vector.broadcast %convert_element_type3A_162 : f32 to vector<8x512xf32>
    %add3A_164 = arith.addf %convert_element_type3A, %add3A_163 : vector<8x512xf32>
    %lt3A_165 = arith.cmpf olt, %sub3A_157, %select_n3A_150 : vector<8x512xf32>
    %select_n3A_166 = arith.select %lt3A_165, %sub3A_157, %select_n3A_150 : vector<8x512xi1>, vector<8x512xf32>
    %select_n3A_167 = arith.select %lt3A_165, %add3A_164, %select_n3A_151 : vector<8x512xi1>, vector<8x512xf32>
    %slice3A_168 = vector.extract_strided_slice %dot_general3A_6 {offsets = [72, 0], sizes = [8, 512], strides = [1, 1]} : vector<512x512xf32> to vector<8x512xf32>
    %slice3A_169 = vector.extract_strided_slice %get3A_11 {offsets = [72, 0], sizes = [8, 1], strides = [1, 1]} : vector<512x1xf32> to vector<8x1xf32>
    %add3A_170 = vector.broadcast %get3A_14 : vector<1x512xf32> to vector<8x512xf32>
    %add3A_171 = vector.broadcast %slice3A_169 : vector<8x1xf32> to vector<8x512xf32>
    %add3A_172 = arith.addf %add3A_170, %add3A_171 : vector<8x512xf32>
    %sub3A_173 = arith.subf %add3A_172, %slice3A_168 : vector<8x512xf32>
    %mul3A_174 = arith.constant 512 : i32
    %mul3A_175 = arith.muli %arg1, %mul3A_174 : i32
    %add3A_176 = arith.constant 72 : i32
    %add3A_177 = arith.addi %mul3A_175, %add3A_176 : i32
    %convert_element_type3A_178 = arith.sitofp %add3A_177 : i32 to f32
    %add3A_179 = vector.broadcast %convert_element_type3A_178 : f32 to vector<8x512xf32>
    %add3A_180 = arith.addf %convert_element_type3A, %add3A_179 : vector<8x512xf32>
    %lt3A_181 = arith.cmpf olt, %sub3A_173, %select_n3A_166 : vector<8x512xf32>
    %select_n3A_182 = arith.select %lt3A_181, %sub3A_173, %select_n3A_166 : vector<8x512xi1>, vector<8x512xf32>
    %select_n3A_183 = arith.select %lt3A_181, %add3A_180, %select_n3A_167 : vector<8x512xi1>, vector<8x512xf32>
    %slice3A_184 = vector.extract_strided_slice %dot_general3A_6 {offsets = [80, 0], sizes = [8, 512], strides = [1, 1]} : vector<512x512xf32> to vector<8x512xf32>
    %slice3A_185 = vector.extract_strided_slice %get3A_11 {offsets = [80, 0], sizes = [8, 1], strides = [1, 1]} : vector<512x1xf32> to vector<8x1xf32>
    %add3A_186 = vector.broadcast %get3A_14 : vector<1x512xf32> to vector<8x512xf32>
    %add3A_187 = vector.broadcast %slice3A_185 : vector<8x1xf32> to vector<8x512xf32>
    %add3A_188 = arith.addf %add3A_186, %add3A_187 : vector<8x512xf32>
    %sub3A_189 = arith.subf %add3A_188, %slice3A_184 : vector<8x512xf32>
    %mul3A_190 = arith.constant 512 : i32
    %mul3A_191 = arith.muli %arg1, %mul3A_190 : i32
    %add3A_192 = arith.constant 80 : i32
    %add3A_193 = arith.addi %mul3A_191, %add3A_192 : i32
    %convert_element_type3A_194 = arith.sitofp %add3A_193 : i32 to f32
    %add3A_195 = vector.broadcast %convert_element_type3A_194 : f32 to vector<8x512xf32>
    %add3A_196 = arith.addf %convert_element_type3A, %add3A_195 : vector<8x512xf32>
    %lt3A_197 = arith.cmpf olt, %sub3A_189, %select_n3A_182 : vector<8x512xf32>
    %select_n3A_198 = arith.select %lt3A_197, %sub3A_189, %select_n3A_182 : vector<8x512xi1>, vector<8x512xf32>
    %select_n3A_199 = arith.select %lt3A_197, %add3A_196, %select_n3A_183 : vector<8x512xi1>, vector<8x512xf32>
    %slice3A_200 = vector.extract_strided_slice %dot_general3A_6 {offsets = [88, 0], sizes = [8, 512], strides = [1, 1]} : vector<512x512xf32> to vector<8x512xf32>
    %slice3A_201 = vector.extract_strided_slice %get3A_11 {offsets = [88, 0], sizes = [8, 1], strides = [1, 1]} : vector<512x1xf32> to vector<8x1xf32>
    %add3A_202 = vector.broadcast %get3A_14 : vector<1x512xf32> to vector<8x512xf32>
    %add3A_203 = vector.broadcast %slice3A_201 : vector<8x1xf32> to vector<8x512xf32>
    %add3A_204 = arith.addf %add3A_202, %add3A_203 : vector<8x512xf32>
    %sub3A_205 = arith.subf %add3A_204, %slice3A_200 : vector<8x512xf32>
    %mul3A_206 = arith.constant 512 : i32
    %mul3A_207 = arith.muli %arg1, %mul3A_206 : i32
    %add3A_208 = arith.constant 88 : i32
    %add3A_209 = arith.addi %mul3A_207, %add3A_208 : i32
    %convert_element_type3A_210 = arith.sitofp %add3A_209 : i32 to f32
    %add3A_211 = vector.broadcast %convert_element_type3A_210 : f32 to vector<8x512xf32>
    %add3A_212 = arith.addf %convert_element_type3A, %add3A_211 : vector<8x512xf32>
    %lt3A_213 = arith.cmpf olt, %sub3A_205, %select_n3A_198 : vector<8x512xf32>
    %select_n3A_214 = arith.select %lt3A_213, %sub3A_205, %select_n3A_198 : vector<8x512xi1>, vector<8x512xf32>
    %select_n3A_215 = arith.select %lt3A_213, %add3A_212, %select_n3A_199 : vector<8x512xi1>, vector<8x512xf32>
    %slice3A_216 = vector.extract_strided_slice %dot_general3A_6 {offsets = [96, 0], sizes = [8, 512], strides = [1, 1]} : vector<512x512xf32> to vector<8x512xf32>
    %slice3A_217 = vector.extract_strided_slice %get3A_11 {offsets = [96, 0], sizes = [8, 1], strides = [1, 1]} : vector<512x1xf32> to vector<8x1xf32>
    %add3A_218 = vector.broadcast %get3A_14 : vector<1x512xf32> to vector<8x512xf32>
    %add3A_219 = vector.broadcast %slice3A_217 : vector<8x1xf32> to vector<8x512xf32>
    %add3A_220 = arith.addf %add3A_218, %add3A_219 : vector<8x512xf32>
    %sub3A_221 = arith.subf %add3A_220, %slice3A_216 : vector<8x512xf32>
    %mul3A_222 = arith.constant 512 : i32
    %mul3A_223 = arith.muli %arg1, %mul3A_222 : i32
    %add3A_224 = arith.constant 96 : i32
    %add3A_225 = arith.addi %mul3A_223, %add3A_224 : i32
    %convert_element_type3A_226 = arith.sitofp %add3A_225 : i32 to f32
    %add3A_227 = vector.broadcast %convert_element_type3A_226 : f32 to vector<8x512xf32>
    %add3A_228 = arith.addf %convert_element_type3A, %add3A_227 : vector<8x512xf32>
    %lt3A_229 = arith.cmpf olt, %sub3A_221, %select_n3A_214 : vector<8x512xf32>
    %select_n3A_230 = arith.select %lt3A_229, %sub3A_221, %select_n3A_214 : vector<8x512xi1>, vector<8x512xf32>
    %select_n3A_231 = arith.select %lt3A_229, %add3A_228, %select_n3A_215 : vector<8x512xi1>, vector<8x512xf32>
    %slice3A_232 = vector.extract_strided_slice %dot_general3A_6 {offsets = [104, 0], sizes = [8, 512], strides = [1, 1]} : vector<512x512xf32> to vector<8x512xf32>
    %slice3A_233 = vector.extract_strided_slice %get3A_11 {offsets = [104, 0], sizes = [8, 1], strides = [1, 1]} : vector<512x1xf32> to vector<8x1xf32>
    %add3A_234 = vector.broadcast %get3A_14 : vector<1x512xf32> to vector<8x512xf32>
    %add3A_235 = vector.broadcast %slice3A_233 : vector<8x1xf32> to vector<8x512xf32>
    %add3A_236 = arith.addf %add3A_234, %add3A_235 : vector<8x512xf32>
    %sub3A_237 = arith.subf %add3A_236, %slice3A_232 : vector<8x512xf32>
    %mul3A_238 = arith.constant 512 : i32
    %mul3A_239 = arith.muli %arg1, %mul3A_238 : i32
    %add3A_240 = arith.constant 104 : i32
    %add3A_241 = arith.addi %mul3A_239, %add3A_240 : i32
    %convert_element_type3A_242 = arith.sitofp %add3A_241 : i32 to f32
    %add3A_243 = vector.broadcast %convert_element_type3A_242 : f32 to vector<8x512xf32>
    %add3A_244 = arith.addf %convert_element_type3A, %add3A_243 : vector<8x512xf32>
    %lt3A_245 = arith.cmpf olt, %sub3A_237, %select_n3A_230 : vector<8x512xf32>
    %select_n3A_246 = arith.select %lt3A_245, %sub3A_237, %select_n3A_230 : vector<8x512xi1>, vector<8x512xf32>
    %select_n3A_247 = arith.select %lt3A_245, %add3A_244, %select_n3A_231 : vector<8x512xi1>, vector<8x512xf32>
    %slice3A_248 = vector.extract_strided_slice %dot_general3A_6 {offsets = [112, 0], sizes = [8, 512], strides = [1, 1]} : vector<512x512xf32> to vector<8x512xf32>
    %slice3A_249 = vector.extract_strided_slice %get3A_11 {offsets = [112, 0], sizes = [8, 1], strides = [1, 1]} : vector<512x1xf32> to vector<8x1xf32>
    %add3A_250 = vector.broadcast %get3A_14 : vector<1x512xf32> to vector<8x512xf32>
    %add3A_251 = vector.broadcast %slice3A_249 : vector<8x1xf32> to vector<8x512xf32>
    %add3A_252 = arith.addf %add3A_250, %add3A_251 : vector<8x512xf32>
    %sub3A_253 = arith.subf %add3A_252, %slice3A_248 : vector<8x512xf32>
    %mul3A_254 = arith.constant 512 : i32
    %mul3A_255 = arith.muli %arg1, %mul3A_254 : i32
    %add3A_256 = arith.constant 112 : i32
    %add3A_257 = arith.addi %mul3A_255, %add3A_256 : i32
    %convert_element_type3A_258 = arith.sitofp %add3A_257 : i32 to f32
    %add3A_259 = vector.broadcast %convert_element_type3A_258 : f32 to vector<8x512xf32>
    %add3A_260 = arith.addf %convert_element_type3A, %add3A_259 : vector<8x512xf32>
    %lt3A_261 = arith.cmpf olt, %sub3A_253, %select_n3A_246 : vector<8x512xf32>
    %select_n3A_262 = arith.select %lt3A_261, %sub3A_253, %select_n3A_246 : vector<8x512xi1>, vector<8x512xf32>
    %select_n3A_263 = arith.select %lt3A_261, %add3A_260, %select_n3A_247 : vector<8x512xi1>, vector<8x512xf32>
    %slice3A_264 = vector.extract_strided_slice %dot_general3A_6 {offsets = [120, 0], sizes = [8, 512], strides = [1, 1]} : vector<512x512xf32> to vector<8x512xf32>
    %slice3A_265 = vector.extract_strided_slice %get3A_11 {offsets = [120, 0], sizes = [8, 1], strides = [1, 1]} : vector<512x1xf32> to vector<8x1xf32>
    %add3A_266 = vector.broadcast %get3A_14 : vector<1x512xf32> to vector<8x512xf32>
    %add3A_267 = vector.broadcast %slice3A_265 : vector<8x1xf32> to vector<8x512xf32>
    %add3A_268 = arith.addf %add3A_266, %add3A_267 : vector<8x512xf32>
    %sub3A_269 = arith.subf %add3A_268, %slice3A_264 : vector<8x512xf32>
    %mul3A_270 = arith.constant 512 : i32
    %mul3A_271 = arith.muli %arg1, %mul3A_270 : i32
    %add3A_272 = arith.constant 120 : i32
    %add3A_273 = arith.addi %mul3A_271, %add3A_272 : i32
    %convert_element_type3A_274 = arith.sitofp %add3A_273 : i32 to f32
    %add3A_275 = vector.broadcast %convert_element_type3A_274 : f32 to vector<8x512xf32>
    %add3A_276 = arith.addf %convert_element_type3A, %add3A_275 : vector<8x512xf32>
    %lt3A_277 = arith.cmpf olt, %sub3A_269, %select_n3A_262 : vector<8x512xf32>
    %select_n3A_278 = arith.select %lt3A_277, %sub3A_269, %select_n3A_262 : vector<8x512xi1>, vector<8x512xf32>
    %select_n3A_279 = arith.select %lt3A_277, %add3A_276, %select_n3A_263 : vector<8x512xi1>, vector<8x512xf32>
    %slice3A_280 = vector.extract_strided_slice %dot_general3A_6 {offsets = [128, 0], sizes = [8, 512], strides = [1, 1]} : vector<512x512xf32> to vector<8x512xf32>
    %slice3A_281 = vector.extract_strided_slice %get3A_11 {offsets = [128, 0], sizes = [8, 1], strides = [1, 1]} : vector<512x1xf32> to vector<8x1xf32>
    %add3A_282 = vector.broadcast %get3A_14 : vector<1x512xf32> to vector<8x512xf32>
    %add3A_283 = vector.broadcast %slice3A_281 : vector<8x1xf32> to vector<8x512xf32>
    %add3A_284 = arith.addf %add3A_282, %add3A_283 : vector<8x512xf32>
    %sub3A_285 = arith.subf %add3A_284, %slice3A_280 : vector<8x512xf32>
    %mul3A_286 = arith.constant 512 : i32
    %mul3A_287 = arith.muli %arg1, %mul3A_286 : i32
    %add3A_288 = arith.constant 128 : i32
    %add3A_289 = arith.addi %mul3A_287, %add3A_288 : i32
    %convert_element_type3A_290 = arith.sitofp %add3A_289 : i32 to f32
    %add3A_291 = vector.broadcast %convert_element_type3A_290 : f32 to vector<8x512xf32>
    %add3A_292 = arith.addf %convert_element_type3A, %add3A_291 : vector<8x512xf32>
    %lt3A_293 = arith.cmpf olt, %sub3A_285, %select_n3A_278 : vector<8x512xf32>
    %select_n3A_294 = arith.select %lt3A_293, %sub3A_285, %select_n3A_278 : vector<8x512xi1>, vector<8x512xf32>
    %select_n3A_295 = arith.select %lt3A_293, %add3A_292, %select_n3A_279 : vector<8x512xi1>, vector<8x512xf32>
    %slice3A_296 = vector.extract_strided_slice %dot_general3A_6 {offsets = [136, 0], sizes = [8, 512], strides = [1, 1]} : vector<512x512xf32> to vector<8x512xf32>
    %slice3A_297 = vector.extract_strided_slice %get3A_11 {offsets = [136, 0], sizes = [8, 1], strides = [1, 1]} : vector<512x1xf32> to vector<8x1xf32>
    %add3A_298 = vector.broadcast %get3A_14 : vector<1x512xf32> to vector<8x512xf32>
    %add3A_299 = vector.broadcast %slice3A_297 : vector<8x1xf32> to vector<8x512xf32>
    %add3A_300 = arith.addf %add3A_298, %add3A_299 : vector<8x512xf32>
    %sub3A_301 = arith.subf %add3A_300, %slice3A_296 : vector<8x512xf32>
    %mul3A_302 = arith.constant 512 : i32
    %mul3A_303 = arith.muli %arg1, %mul3A_302 : i32
    %add3A_304 = arith.constant 136 : i32
    %add3A_305 = arith.addi %mul3A_303, %add3A_304 : i32
    %convert_element_type3A_306 = arith.sitofp %add3A_305 : i32 to f32
    %add3A_307 = vector.broadcast %convert_element_type3A_306 : f32 to vector<8x512xf32>
    %add3A_308 = arith.addf %convert_element_type3A, %add3A_307 : vector<8x512xf32>
    %lt3A_309 = arith.cmpf olt, %sub3A_301, %select_n3A_294 : vector<8x512xf32>
    %select_n3A_310 = arith.select %lt3A_309, %sub3A_301, %select_n3A_294 : vector<8x512xi1>, vector<8x512xf32>
    %select_n3A_311 = arith.select %lt3A_309, %add3A_308, %select_n3A_295 : vector<8x512xi1>, vector<8x512xf32>
    %slice3A_312 = vector.extract_strided_slice %dot_general3A_6 {offsets = [144, 0], sizes = [8, 512], strides = [1, 1]} : vector<512x512xf32> to vector<8x512xf32>
    %slice3A_313 = vector.extract_strided_slice %get3A_11 {offsets = [144, 0], sizes = [8, 1], strides = [1, 1]} : vector<512x1xf32> to vector<8x1xf32>
    %add3A_314 = vector.broadcast %get3A_14 : vector<1x512xf32> to vector<8x512xf32>
    %add3A_315 = vector.broadcast %slice3A_313 : vector<8x1xf32> to vector<8x512xf32>
    %add3A_316 = arith.addf %add3A_314, %add3A_315 : vector<8x512xf32>
    %sub3A_317 = arith.subf %add3A_316, %slice3A_312 : vector<8x512xf32>
    %mul3A_318 = arith.constant 512 : i32
    %mul3A_319 = arith.muli %arg1, %mul3A_318 : i32
    %add3A_320 = arith.constant 144 : i32
    %add3A_321 = arith.addi %mul3A_319, %add3A_320 : i32
    %convert_element_type3A_322 = arith.sitofp %add3A_321 : i32 to f32
    %add3A_323 = vector.broadcast %convert_element_type3A_322 : f32 to vector<8x512xf32>
    %add3A_324 = arith.addf %convert_element_type3A, %add3A_323 : vector<8x512xf32>
    %lt3A_325 = arith.cmpf olt, %sub3A_317, %select_n3A_310 : vector<8x512xf32>
    %select_n3A_326 = arith.select %lt3A_325, %sub3A_317, %select_n3A_310 : vector<8x512xi1>, vector<8x512xf32>
    %select_n3A_327 = arith.select %lt3A_325, %add3A_324, %select_n3A_311 : vector<8x512xi1>, vector<8x512xf32>
    %slice3A_328 = vector.extract_strided_slice %dot_general3A_6 {offsets = [152, 0], sizes = [8, 512], strides = [1, 1]} : vector<512x512xf32> to vector<8x512xf32>
    %slice3A_329 = vector.extract_strided_slice %get3A_11 {offsets = [152, 0], sizes = [8, 1], strides = [1, 1]} : vector<512x1xf32> to vector<8x1xf32>
    %add3A_330 = vector.broadcast %get3A_14 : vector<1x512xf32> to vector<8x512xf32>
    %add3A_331 = vector.broadcast %slice3A_329 : vector<8x1xf32> to vector<8x512xf32>
    %add3A_332 = arith.addf %add3A_330, %add3A_331 : vector<8x512xf32>
    %sub3A_333 = arith.subf %add3A_332, %slice3A_328 : vector<8x512xf32>
    %mul3A_334 = arith.constant 512 : i32
    %mul3A_335 = arith.muli %arg1, %mul3A_334 : i32
    %add3A_336 = arith.constant 152 : i32
    %add3A_337 = arith.addi %mul3A_335, %add3A_336 : i32
    %convert_element_type3A_338 = arith.sitofp %add3A_337 : i32 to f32
    %add3A_339 = vector.broadcast %convert_element_type3A_338 : f32 to vector<8x512xf32>
    %add3A_340 = arith.addf %convert_element_type3A, %add3A_339 : vector<8x512xf32>
    %lt3A_341 = arith.cmpf olt, %sub3A_333, %select_n3A_326 : vector<8x512xf32>
    %select_n3A_342 = arith.select %lt3A_341, %sub3A_333, %select_n3A_326 : vector<8x512xi1>, vector<8x512xf32>
    %select_n3A_343 = arith.select %lt3A_341, %add3A_340, %select_n3A_327 : vector<8x512xi1>, vector<8x512xf32>
    %slice3A_344 = vector.extract_strided_slice %dot_general3A_6 {offsets = [160, 0], sizes = [8, 512], strides = [1, 1]} : vector<512x512xf32> to vector<8x512xf32>
    %slice3A_345 = vector.extract_strided_slice %get3A_11 {offsets = [160, 0], sizes = [8, 1], strides = [1, 1]} : vector<512x1xf32> to vector<8x1xf32>
    %add3A_346 = vector.broadcast %get3A_14 : vector<1x512xf32> to vector<8x512xf32>
    %add3A_347 = vector.broadcast %slice3A_345 : vector<8x1xf32> to vector<8x512xf32>
    %add3A_348 = arith.addf %add3A_346, %add3A_347 : vector<8x512xf32>
    %sub3A_349 = arith.subf %add3A_348, %slice3A_344 : vector<8x512xf32>
    %mul3A_350 = arith.constant 512 : i32
    %mul3A_351 = arith.muli %arg1, %mul3A_350 : i32
    %add3A_352 = arith.constant 160 : i32
    %add3A_353 = arith.addi %mul3A_351, %add3A_352 : i32
    %convert_element_type3A_354 = arith.sitofp %add3A_353 : i32 to f32
    %add3A_355 = vector.broadcast %convert_element_type3A_354 : f32 to vector<8x512xf32>
    %add3A_356 = arith.addf %convert_element_type3A, %add3A_355 : vector<8x512xf32>
    %lt3A_357 = arith.cmpf olt, %sub3A_349, %select_n3A_342 : vector<8x512xf32>
    %select_n3A_358 = arith.select %lt3A_357, %sub3A_349, %select_n3A_342 : vector<8x512xi1>, vector<8x512xf32>
    %select_n3A_359 = arith.select %lt3A_357, %add3A_356, %select_n3A_343 : vector<8x512xi1>, vector<8x512xf32>
    %slice3A_360 = vector.extract_strided_slice %dot_general3A_6 {offsets = [168, 0], sizes = [8, 512], strides = [1, 1]} : vector<512x512xf32> to vector<8x512xf32>
    %slice3A_361 = vector.extract_strided_slice %get3A_11 {offsets = [168, 0], sizes = [8, 1], strides = [1, 1]} : vector<512x1xf32> to vector<8x1xf32>
    %add3A_362 = vector.broadcast %get3A_14 : vector<1x512xf32> to vector<8x512xf32>
    %add3A_363 = vector.broadcast %slice3A_361 : vector<8x1xf32> to vector<8x512xf32>
    %add3A_364 = arith.addf %add3A_362, %add3A_363 : vector<8x512xf32>
    %sub3A_365 = arith.subf %add3A_364, %slice3A_360 : vector<8x512xf32>
    %mul3A_366 = arith.constant 512 : i32
    %mul3A_367 = arith.muli %arg1, %mul3A_366 : i32
    %add3A_368 = arith.constant 168 : i32
    %add3A_369 = arith.addi %mul3A_367, %add3A_368 : i32
    %convert_element_type3A_370 = arith.sitofp %add3A_369 : i32 to f32
    %add3A_371 = vector.broadcast %convert_element_type3A_370 : f32 to vector<8x512xf32>
    %add3A_372 = arith.addf %convert_element_type3A, %add3A_371 : vector<8x512xf32>
    %lt3A_373 = arith.cmpf olt, %sub3A_365, %select_n3A_358 : vector<8x512xf32>
    %select_n3A_374 = arith.select %lt3A_373, %sub3A_365, %select_n3A_358 : vector<8x512xi1>, vector<8x512xf32>
    %select_n3A_375 = arith.select %lt3A_373, %add3A_372, %select_n3A_359 : vector<8x512xi1>, vector<8x512xf32>
    %slice3A_376 = vector.extract_strided_slice %dot_general3A_6 {offsets = [176, 0], sizes = [8, 512], strides = [1, 1]} : vector<512x512xf32> to vector<8x512xf32>
    %slice3A_377 = vector.extract_strided_slice %get3A_11 {offsets = [176, 0], sizes = [8, 1], strides = [1, 1]} : vector<512x1xf32> to vector<8x1xf32>
    %add3A_378 = vector.broadcast %get3A_14 : vector<1x512xf32> to vector<8x512xf32>
    %add3A_379 = vector.broadcast %slice3A_377 : vector<8x1xf32> to vector<8x512xf32>
    %add3A_380 = arith.addf %add3A_378, %add3A_379 : vector<8x512xf32>
    %sub3A_381 = arith.subf %add3A_380, %slice3A_376 : vector<8x512xf32>
    %mul3A_382 = arith.constant 512 : i32
    %mul3A_383 = arith.muli %arg1, %mul3A_382 : i32
    %add3A_384 = arith.constant 176 : i32
    %add3A_385 = arith.addi %mul3A_383, %add3A_384 : i32
    %convert_element_type3A_386 = arith.sitofp %add3A_385 : i32 to f32
    %add3A_387 = vector.broadcast %convert_element_type3A_386 : f32 to vector<8x512xf32>
    %add3A_388 = arith.addf %convert_element_type3A, %add3A_387 : vector<8x512xf32>
    %lt3A_389 = arith.cmpf olt, %sub3A_381, %select_n3A_374 : vector<8x512xf32>
    %select_n3A_390 = arith.select %lt3A_389, %sub3A_381, %select_n3A_374 : vector<8x512xi1>, vector<8x512xf32>
    %select_n3A_391 = arith.select %lt3A_389, %add3A_388, %select_n3A_375 : vector<8x512xi1>, vector<8x512xf32>
    %slice3A_392 = vector.extract_strided_slice %dot_general3A_6 {offsets = [184, 0], sizes = [8, 512], strides = [1, 1]} : vector<512x512xf32> to vector<8x512xf32>
    %slice3A_393 = vector.extract_strided_slice %get3A_11 {offsets = [184, 0], sizes = [8, 1], strides = [1, 1]} : vector<512x1xf32> to vector<8x1xf32>
    %add3A_394 = vector.broadcast %get3A_14 : vector<1x512xf32> to vector<8x512xf32>
    %add3A_395 = vector.broadcast %slice3A_393 : vector<8x1xf32> to vector<8x512xf32>
    %add3A_396 = arith.addf %add3A_394, %add3A_395 : vector<8x512xf32>
    %sub3A_397 = arith.subf %add3A_396, %slice3A_392 : vector<8x512xf32>
    %mul3A_398 = arith.constant 512 : i32
    %mul3A_399 = arith.muli %arg1, %mul3A_398 : i32
    %add3A_400 = arith.constant 184 : i32
    %add3A_401 = arith.addi %mul3A_399, %add3A_400 : i32
    %convert_element_type3A_402 = arith.sitofp %add3A_401 : i32 to f32
    %add3A_403 = vector.broadcast %convert_element_type3A_402 : f32 to vector<8x512xf32>
    %add3A_404 = arith.addf %convert_element_type3A, %add3A_403 : vector<8x512xf32>
    %lt3A_405 = arith.cmpf olt, %sub3A_397, %select_n3A_390 : vector<8x512xf32>
    %select_n3A_406 = arith.select %lt3A_405, %sub3A_397, %select_n3A_390 : vector<8x512xi1>, vector<8x512xf32>
    %select_n3A_407 = arith.select %lt3A_405, %add3A_404, %select_n3A_391 : vector<8x512xi1>, vector<8x512xf32>
    %slice3A_408 = vector.extract_strided_slice %dot_general3A_6 {offsets = [192, 0], sizes = [8, 512], strides = [1, 1]} : vector<512x512xf32> to vector<8x512xf32>
    %slice3A_409 = vector.extract_strided_slice %get3A_11 {offsets = [192, 0], sizes = [8, 1], strides = [1, 1]} : vector<512x1xf32> to vector<8x1xf32>
    %add3A_410 = vector.broadcast %get3A_14 : vector<1x512xf32> to vector<8x512xf32>
    %add3A_411 = vector.broadcast %slice3A_409 : vector<8x1xf32> to vector<8x512xf32>
    %add3A_412 = arith.addf %add3A_410, %add3A_411 : vector<8x512xf32>
    %sub3A_413 = arith.subf %add3A_412, %slice3A_408 : vector<8x512xf32>
    %mul3A_414 = arith.constant 512 : i32
    %mul3A_415 = arith.muli %arg1, %mul3A_414 : i32
    %add3A_416 = arith.constant 192 : i32
    %add3A_417 = arith.addi %mul3A_415, %add3A_416 : i32
    %convert_element_type3A_418 = arith.sitofp %add3A_417 : i32 to f32
    %add3A_419 = vector.broadcast %convert_element_type3A_418 : f32 to vector<8x512xf32>
    %add3A_420 = arith.addf %convert_element_type3A, %add3A_419 : vector<8x512xf32>
    %lt3A_421 = arith.cmpf olt, %sub3A_413, %select_n3A_406 : vector<8x512xf32>
    %select_n3A_422 = arith.select %lt3A_421, %sub3A_413, %select_n3A_406 : vector<8x512xi1>, vector<8x512xf32>
    %select_n3A_423 = arith.select %lt3A_421, %add3A_420, %select_n3A_407 : vector<8x512xi1>, vector<8x512xf32>
    %slice3A_424 = vector.extract_strided_slice %dot_general3A_6 {offsets = [200, 0], sizes = [8, 512], strides = [1, 1]} : vector<512x512xf32> to vector<8x512xf32>
    %slice3A_425 = vector.extract_strided_slice %get3A_11 {offsets = [200, 0], sizes = [8, 1], strides = [1, 1]} : vector<512x1xf32> to vector<8x1xf32>
    %add3A_426 = vector.broadcast %get3A_14 : vector<1x512xf32> to vector<8x512xf32>
    %add3A_427 = vector.broadcast %slice3A_425 : vector<8x1xf32> to vector<8x512xf32>
    %add3A_428 = arith.addf %add3A_426, %add3A_427 : vector<8x512xf32>
    %sub3A_429 = arith.subf %add3A_428, %slice3A_424 : vector<8x512xf32>
    %mul3A_430 = arith.constant 512 : i32
    %mul3A_431 = arith.muli %arg1, %mul3A_430 : i32
    %add3A_432 = arith.constant 200 : i32
    %add3A_433 = arith.addi %mul3A_431, %add3A_432 : i32
    %convert_element_type3A_434 = arith.sitofp %add3A_433 : i32 to f32
    %add3A_435 = vector.broadcast %convert_element_type3A_434 : f32 to vector<8x512xf32>
    %add3A_436 = arith.addf %convert_element_type3A, %add3A_435 : vector<8x512xf32>
    %lt3A_437 = arith.cmpf olt, %sub3A_429, %select_n3A_422 : vector<8x512xf32>
    %select_n3A_438 = arith.select %lt3A_437, %sub3A_429, %select_n3A_422 : vector<8x512xi1>, vector<8x512xf32>
    %select_n3A_439 = arith.select %lt3A_437, %add3A_436, %select_n3A_423 : vector<8x512xi1>, vector<8x512xf32>
    %slice3A_440 = vector.extract_strided_slice %dot_general3A_6 {offsets = [208, 0], sizes = [8, 512], strides = [1, 1]} : vector<512x512xf32> to vector<8x512xf32>
    %slice3A_441 = vector.extract_strided_slice %get3A_11 {offsets = [208, 0], sizes = [8, 1], strides = [1, 1]} : vector<512x1xf32> to vector<8x1xf32>
    %add3A_442 = vector.broadcast %get3A_14 : vector<1x512xf32> to vector<8x512xf32>
    %add3A_443 = vector.broadcast %slice3A_441 : vector<8x1xf32> to vector<8x512xf32>
    %add3A_444 = arith.addf %add3A_442, %add3A_443 : vector<8x512xf32>
    %sub3A_445 = arith.subf %add3A_444, %slice3A_440 : vector<8x512xf32>
    %mul3A_446 = arith.constant 512 : i32
    %mul3A_447 = arith.muli %arg1, %mul3A_446 : i32
    %add3A_448 = arith.constant 208 : i32
    %add3A_449 = arith.addi %mul3A_447, %add3A_448 : i32
    %convert_element_type3A_450 = arith.sitofp %add3A_449 : i32 to f32
    %add3A_451 = vector.broadcast %convert_element_type3A_450 : f32 to vector<8x512xf32>
    %add3A_452 = arith.addf %convert_element_type3A, %add3A_451 : vector<8x512xf32>
    %lt3A_453 = arith.cmpf olt, %sub3A_445, %select_n3A_438 : vector<8x512xf32>
    %select_n3A_454 = arith.select %lt3A_453, %sub3A_445, %select_n3A_438 : vector<8x512xi1>, vector<8x512xf32>
    %select_n3A_455 = arith.select %lt3A_453, %add3A_452, %select_n3A_439 : vector<8x512xi1>, vector<8x512xf32>
    %slice3A_456 = vector.extract_strided_slice %dot_general3A_6 {offsets = [216, 0], sizes = [8, 512], strides = [1, 1]} : vector<512x512xf32> to vector<8x512xf32>
    %slice3A_457 = vector.extract_strided_slice %get3A_11 {offsets = [216, 0], sizes = [8, 1], strides = [1, 1]} : vector<512x1xf32> to vector<8x1xf32>
    %add3A_458 = vector.broadcast %get3A_14 : vector<1x512xf32> to vector<8x512xf32>
    %add3A_459 = vector.broadcast %slice3A_457 : vector<8x1xf32> to vector<8x512xf32>
    %add3A_460 = arith.addf %add3A_458, %add3A_459 : vector<8x512xf32>
    %sub3A_461 = arith.subf %add3A_460, %slice3A_456 : vector<8x512xf32>
    %mul3A_462 = arith.constant 512 : i32
    %mul3A_463 = arith.muli %arg1, %mul3A_462 : i32
    %add3A_464 = arith.constant 216 : i32
    %add3A_465 = arith.addi %mul3A_463, %add3A_464 : i32
    %convert_element_type3A_466 = arith.sitofp %add3A_465 : i32 to f32
    %add3A_467 = vector.broadcast %convert_element_type3A_466 : f32 to vector<8x512xf32>
    %add3A_468 = arith.addf %convert_element_type3A, %add3A_467 : vector<8x512xf32>
    %lt3A_469 = arith.cmpf olt, %sub3A_461, %select_n3A_454 : vector<8x512xf32>
    %select_n3A_470 = arith.select %lt3A_469, %sub3A_461, %select_n3A_454 : vector<8x512xi1>, vector<8x512xf32>
    %select_n3A_471 = arith.select %lt3A_469, %add3A_468, %select_n3A_455 : vector<8x512xi1>, vector<8x512xf32>
    %slice3A_472 = vector.extract_strided_slice %dot_general3A_6 {offsets = [224, 0], sizes = [8, 512], strides = [1, 1]} : vector<512x512xf32> to vector<8x512xf32>
    %slice3A_473 = vector.extract_strided_slice %get3A_11 {offsets = [224, 0], sizes = [8, 1], strides = [1, 1]} : vector<512x1xf32> to vector<8x1xf32>
    %add3A_474 = vector.broadcast %get3A_14 : vector<1x512xf32> to vector<8x512xf32>
    %add3A_475 = vector.broadcast %slice3A_473 : vector<8x1xf32> to vector<8x512xf32>
    %add3A_476 = arith.addf %add3A_474, %add3A_475 : vector<8x512xf32>
    %sub3A_477 = arith.subf %add3A_476, %slice3A_472 : vector<8x512xf32>
    %mul3A_478 = arith.constant 512 : i32
    %mul3A_479 = arith.muli %arg1, %mul3A_478 : i32
    %add3A_480 = arith.constant 224 : i32
    %add3A_481 = arith.addi %mul3A_479, %add3A_480 : i32
    %convert_element_type3A_482 = arith.sitofp %add3A_481 : i32 to f32
    %add3A_483 = vector.broadcast %convert_element_type3A_482 : f32 to vector<8x512xf32>
    %add3A_484 = arith.addf %convert_element_type3A, %add3A_483 : vector<8x512xf32>
    %lt3A_485 = arith.cmpf olt, %sub3A_477, %select_n3A_470 : vector<8x512xf32>
    %select_n3A_486 = arith.select %lt3A_485, %sub3A_477, %select_n3A_470 : vector<8x512xi1>, vector<8x512xf32>
    %select_n3A_487 = arith.select %lt3A_485, %add3A_484, %select_n3A_471 : vector<8x512xi1>, vector<8x512xf32>
    %slice3A_488 = vector.extract_strided_slice %dot_general3A_6 {offsets = [232, 0], sizes = [8, 512], strides = [1, 1]} : vector<512x512xf32> to vector<8x512xf32>
    %slice3A_489 = vector.extract_strided_slice %get3A_11 {offsets = [232, 0], sizes = [8, 1], strides = [1, 1]} : vector<512x1xf32> to vector<8x1xf32>
    %add3A_490 = vector.broadcast %get3A_14 : vector<1x512xf32> to vector<8x512xf32>
    %add3A_491 = vector.broadcast %slice3A_489 : vector<8x1xf32> to vector<8x512xf32>
    %add3A_492 = arith.addf %add3A_490, %add3A_491 : vector<8x512xf32>
    %sub3A_493 = arith.subf %add3A_492, %slice3A_488 : vector<8x512xf32>
    %mul3A_494 = arith.constant 512 : i32
    %mul3A_495 = arith.muli %arg1, %mul3A_494 : i32
    %add3A_496 = arith.constant 232 : i32
    %add3A_497 = arith.addi %mul3A_495, %add3A_496 : i32
    %convert_element_type3A_498 = arith.sitofp %add3A_497 : i32 to f32
    %add3A_499 = vector.broadcast %convert_element_type3A_498 : f32 to vector<8x512xf32>
    %add3A_500 = arith.addf %convert_element_type3A, %add3A_499 : vector<8x512xf32>
    %lt3A_501 = arith.cmpf olt, %sub3A_493, %select_n3A_486 : vector<8x512xf32>
    %select_n3A_502 = arith.select %lt3A_501, %sub3A_493, %select_n3A_486 : vector<8x512xi1>, vector<8x512xf32>
    %select_n3A_503 = arith.select %lt3A_501, %add3A_500, %select_n3A_487 : vector<8x512xi1>, vector<8x512xf32>
    %slice3A_504 = vector.extract_strided_slice %dot_general3A_6 {offsets = [240, 0], sizes = [8, 512], strides = [1, 1]} : vector<512x512xf32> to vector<8x512xf32>
    %slice3A_505 = vector.extract_strided_slice %get3A_11 {offsets = [240, 0], sizes = [8, 1], strides = [1, 1]} : vector<512x1xf32> to vector<8x1xf32>
    %add3A_506 = vector.broadcast %get3A_14 : vector<1x512xf32> to vector<8x512xf32>
    %add3A_507 = vector.broadcast %slice3A_505 : vector<8x1xf32> to vector<8x512xf32>
    %add3A_508 = arith.addf %add3A_506, %add3A_507 : vector<8x512xf32>
    %sub3A_509 = arith.subf %add3A_508, %slice3A_504 : vector<8x512xf32>
    %mul3A_510 = arith.constant 512 : i32
    %mul3A_511 = arith.muli %arg1, %mul3A_510 : i32
    %add3A_512 = arith.constant 240 : i32
    %add3A_513 = arith.addi %mul3A_511, %add3A_512 : i32
    %convert_element_type3A_514 = arith.sitofp %add3A_513 : i32 to f32
    %add3A_515 = vector.broadcast %convert_element_type3A_514 : f32 to vector<8x512xf32>
    %add3A_516 = arith.addf %convert_element_type3A, %add3A_515 : vector<8x512xf32>
    %lt3A_517 = arith.cmpf olt, %sub3A_509, %select_n3A_502 : vector<8x512xf32>
    %select_n3A_518 = arith.select %lt3A_517, %sub3A_509, %select_n3A_502 : vector<8x512xi1>, vector<8x512xf32>
    %select_n3A_519 = arith.select %lt3A_517, %add3A_516, %select_n3A_503 : vector<8x512xi1>, vector<8x512xf32>
    %slice3A_520 = vector.extract_strided_slice %dot_general3A_6 {offsets = [248, 0], sizes = [8, 512], strides = [1, 1]} : vector<512x512xf32> to vector<8x512xf32>
    %slice3A_521 = vector.extract_strided_slice %get3A_11 {offsets = [248, 0], sizes = [8, 1], strides = [1, 1]} : vector<512x1xf32> to vector<8x1xf32>
    %add3A_522 = vector.broadcast %get3A_14 : vector<1x512xf32> to vector<8x512xf32>
    %add3A_523 = vector.broadcast %slice3A_521 : vector<8x1xf32> to vector<8x512xf32>
    %add3A_524 = arith.addf %add3A_522, %add3A_523 : vector<8x512xf32>
    %sub3A_525 = arith.subf %add3A_524, %slice3A_520 : vector<8x512xf32>
    %mul3A_526 = arith.constant 512 : i32
    %mul3A_527 = arith.muli %arg1, %mul3A_526 : i32
    %add3A_528 = arith.constant 248 : i32
    %add3A_529 = arith.addi %mul3A_527, %add3A_528 : i32
    %convert_element_type3A_530 = arith.sitofp %add3A_529 : i32 to f32
    %add3A_531 = vector.broadcast %convert_element_type3A_530 : f32 to vector<8x512xf32>
    %add3A_532 = arith.addf %convert_element_type3A, %add3A_531 : vector<8x512xf32>
    %lt3A_533 = arith.cmpf olt, %sub3A_525, %select_n3A_518 : vector<8x512xf32>
    %select_n3A_534 = arith.select %lt3A_533, %sub3A_525, %select_n3A_518 : vector<8x512xi1>, vector<8x512xf32>
    %select_n3A_535 = arith.select %lt3A_533, %add3A_532, %select_n3A_519 : vector<8x512xi1>, vector<8x512xf32>
    %slice3A_536 = vector.extract_strided_slice %dot_general3A_6 {offsets = [256, 0], sizes = [8, 512], strides = [1, 1]} : vector<512x512xf32> to vector<8x512xf32>
    %slice3A_537 = vector.extract_strided_slice %get3A_11 {offsets = [256, 0], sizes = [8, 1], strides = [1, 1]} : vector<512x1xf32> to vector<8x1xf32>
    %add3A_538 = vector.broadcast %get3A_14 : vector<1x512xf32> to vector<8x512xf32>
    %add3A_539 = vector.broadcast %slice3A_537 : vector<8x1xf32> to vector<8x512xf32>
    %add3A_540 = arith.addf %add3A_538, %add3A_539 : vector<8x512xf32>
    %sub3A_541 = arith.subf %add3A_540, %slice3A_536 : vector<8x512xf32>
    %mul3A_542 = arith.constant 512 : i32
    %mul3A_543 = arith.muli %arg1, %mul3A_542 : i32
    %add3A_544 = arith.constant 256 : i32
    %add3A_545 = arith.addi %mul3A_543, %add3A_544 : i32
    %convert_element_type3A_546 = arith.sitofp %add3A_545 : i32 to f32
    %add3A_547 = vector.broadcast %convert_element_type3A_546 : f32 to vector<8x512xf32>
    %add3A_548 = arith.addf %convert_element_type3A, %add3A_547 : vector<8x512xf32>
    %lt3A_549 = arith.cmpf olt, %sub3A_541, %select_n3A_534 : vector<8x512xf32>
    %select_n3A_550 = arith.select %lt3A_549, %sub3A_541, %select_n3A_534 : vector<8x512xi1>, vector<8x512xf32>
    %select_n3A_551 = arith.select %lt3A_549, %add3A_548, %select_n3A_535 : vector<8x512xi1>, vector<8x512xf32>
    %slice3A_552 = vector.extract_strided_slice %dot_general3A_6 {offsets = [264, 0], sizes = [8, 512], strides = [1, 1]} : vector<512x512xf32> to vector<8x512xf32>
    %slice3A_553 = vector.extract_strided_slice %get3A_11 {offsets = [264, 0], sizes = [8, 1], strides = [1, 1]} : vector<512x1xf32> to vector<8x1xf32>
    %add3A_554 = vector.broadcast %get3A_14 : vector<1x512xf32> to vector<8x512xf32>
    %add3A_555 = vector.broadcast %slice3A_553 : vector<8x1xf32> to vector<8x512xf32>
    %add3A_556 = arith.addf %add3A_554, %add3A_555 : vector<8x512xf32>
    %sub3A_557 = arith.subf %add3A_556, %slice3A_552 : vector<8x512xf32>
    %mul3A_558 = arith.constant 512 : i32
    %mul3A_559 = arith.muli %arg1, %mul3A_558 : i32
    %add3A_560 = arith.constant 264 : i32
    %add3A_561 = arith.addi %mul3A_559, %add3A_560 : i32
    %convert_element_type3A_562 = arith.sitofp %add3A_561 : i32 to f32
    %add3A_563 = vector.broadcast %convert_element_type3A_562 : f32 to vector<8x512xf32>
    %add3A_564 = arith.addf %convert_element_type3A, %add3A_563 : vector<8x512xf32>
    %lt3A_565 = arith.cmpf olt, %sub3A_557, %select_n3A_550 : vector<8x512xf32>
    %select_n3A_566 = arith.select %lt3A_565, %sub3A_557, %select_n3A_550 : vector<8x512xi1>, vector<8x512xf32>
    %select_n3A_567 = arith.select %lt3A_565, %add3A_564, %select_n3A_551 : vector<8x512xi1>, vector<8x512xf32>
    %slice3A_568 = vector.extract_strided_slice %dot_general3A_6 {offsets = [272, 0], sizes = [8, 512], strides = [1, 1]} : vector<512x512xf32> to vector<8x512xf32>
    %slice3A_569 = vector.extract_strided_slice %get3A_11 {offsets = [272, 0], sizes = [8, 1], strides = [1, 1]} : vector<512x1xf32> to vector<8x1xf32>
    %add3A_570 = vector.broadcast %get3A_14 : vector<1x512xf32> to vector<8x512xf32>
    %add3A_571 = vector.broadcast %slice3A_569 : vector<8x1xf32> to vector<8x512xf32>
    %add3A_572 = arith.addf %add3A_570, %add3A_571 : vector<8x512xf32>
    %sub3A_573 = arith.subf %add3A_572, %slice3A_568 : vector<8x512xf32>
    %mul3A_574 = arith.constant 512 : i32
    %mul3A_575 = arith.muli %arg1, %mul3A_574 : i32
    %add3A_576 = arith.constant 272 : i32
    %add3A_577 = arith.addi %mul3A_575, %add3A_576 : i32
    %convert_element_type3A_578 = arith.sitofp %add3A_577 : i32 to f32
    %add3A_579 = vector.broadcast %convert_element_type3A_578 : f32 to vector<8x512xf32>
    %add3A_580 = arith.addf %convert_element_type3A, %add3A_579 : vector<8x512xf32>
    %lt3A_581 = arith.cmpf olt, %sub3A_573, %select_n3A_566 : vector<8x512xf32>
    %select_n3A_582 = arith.select %lt3A_581, %sub3A_573, %select_n3A_566 : vector<8x512xi1>, vector<8x512xf32>
    %select_n3A_583 = arith.select %lt3A_581, %add3A_580, %select_n3A_567 : vector<8x512xi1>, vector<8x512xf32>
    %slice3A_584 = vector.extract_strided_slice %dot_general3A_6 {offsets = [280, 0], sizes = [8, 512], strides = [1, 1]} : vector<512x512xf32> to vector<8x512xf32>
    %slice3A_585 = vector.extract_strided_slice %get3A_11 {offsets = [280, 0], sizes = [8, 1], strides = [1, 1]} : vector<512x1xf32> to vector<8x1xf32>
    %add3A_586 = vector.broadcast %get3A_14 : vector<1x512xf32> to vector<8x512xf32>
    %add3A_587 = vector.broadcast %slice3A_585 : vector<8x1xf32> to vector<8x512xf32>
    %add3A_588 = arith.addf %add3A_586, %add3A_587 : vector<8x512xf32>
    %sub3A_589 = arith.subf %add3A_588, %slice3A_584 : vector<8x512xf32>
    %mul3A_590 = arith.constant 512 : i32
    %mul3A_591 = arith.muli %arg1, %mul3A_590 : i32
    %add3A_592 = arith.constant 280 : i32
    %add3A_593 = arith.addi %mul3A_591, %add3A_592 : i32
    %convert_element_type3A_594 = arith.sitofp %add3A_593 : i32 to f32
    %add3A_595 = vector.broadcast %convert_element_type3A_594 : f32 to vector<8x512xf32>
    %add3A_596 = arith.addf %convert_element_type3A, %add3A_595 : vector<8x512xf32>
    %lt3A_597 = arith.cmpf olt, %sub3A_589, %select_n3A_582 : vector<8x512xf32>
    %select_n3A_598 = arith.select %lt3A_597, %sub3A_589, %select_n3A_582 : vector<8x512xi1>, vector<8x512xf32>
    %select_n3A_599 = arith.select %lt3A_597, %add3A_596, %select_n3A_583 : vector<8x512xi1>, vector<8x512xf32>
    %slice3A_600 = vector.extract_strided_slice %dot_general3A_6 {offsets = [288, 0], sizes = [8, 512], strides = [1, 1]} : vector<512x512xf32> to vector<8x512xf32>
    %slice3A_601 = vector.extract_strided_slice %get3A_11 {offsets = [288, 0], sizes = [8, 1], strides = [1, 1]} : vector<512x1xf32> to vector<8x1xf32>
    %add3A_602 = vector.broadcast %get3A_14 : vector<1x512xf32> to vector<8x512xf32>
    %add3A_603 = vector.broadcast %slice3A_601 : vector<8x1xf32> to vector<8x512xf32>
    %add3A_604 = arith.addf %add3A_602, %add3A_603 : vector<8x512xf32>
    %sub3A_605 = arith.subf %add3A_604, %slice3A_600 : vector<8x512xf32>
    %mul3A_606 = arith.constant 512 : i32
    %mul3A_607 = arith.muli %arg1, %mul3A_606 : i32
    %add3A_608 = arith.constant 288 : i32
    %add3A_609 = arith.addi %mul3A_607, %add3A_608 : i32
    %convert_element_type3A_610 = arith.sitofp %add3A_609 : i32 to f32
    %add3A_611 = vector.broadcast %convert_element_type3A_610 : f32 to vector<8x512xf32>
    %add3A_612 = arith.addf %convert_element_type3A, %add3A_611 : vector<8x512xf32>
    %lt3A_613 = arith.cmpf olt, %sub3A_605, %select_n3A_598 : vector<8x512xf32>
    %select_n3A_614 = arith.select %lt3A_613, %sub3A_605, %select_n3A_598 : vector<8x512xi1>, vector<8x512xf32>
    %select_n3A_615 = arith.select %lt3A_613, %add3A_612, %select_n3A_599 : vector<8x512xi1>, vector<8x512xf32>
    %slice3A_616 = vector.extract_strided_slice %dot_general3A_6 {offsets = [296, 0], sizes = [8, 512], strides = [1, 1]} : vector<512x512xf32> to vector<8x512xf32>
    %slice3A_617 = vector.extract_strided_slice %get3A_11 {offsets = [296, 0], sizes = [8, 1], strides = [1, 1]} : vector<512x1xf32> to vector<8x1xf32>
    %add3A_618 = vector.broadcast %get3A_14 : vector<1x512xf32> to vector<8x512xf32>
    %add3A_619 = vector.broadcast %slice3A_617 : vector<8x1xf32> to vector<8x512xf32>
    %add3A_620 = arith.addf %add3A_618, %add3A_619 : vector<8x512xf32>
    %sub3A_621 = arith.subf %add3A_620, %slice3A_616 : vector<8x512xf32>
    %mul3A_622 = arith.constant 512 : i32
    %mul3A_623 = arith.muli %arg1, %mul3A_622 : i32
    %add3A_624 = arith.constant 296 : i32
    %add3A_625 = arith.addi %mul3A_623, %add3A_624 : i32
    %convert_element_type3A_626 = arith.sitofp %add3A_625 : i32 to f32
    %add3A_627 = vector.broadcast %convert_element_type3A_626 : f32 to vector<8x512xf32>
    %add3A_628 = arith.addf %convert_element_type3A, %add3A_627 : vector<8x512xf32>
    %lt3A_629 = arith.cmpf olt, %sub3A_621, %select_n3A_614 : vector<8x512xf32>
    %select_n3A_630 = arith.select %lt3A_629, %sub3A_621, %select_n3A_614 : vector<8x512xi1>, vector<8x512xf32>
    %select_n3A_631 = arith.select %lt3A_629, %add3A_628, %select_n3A_615 : vector<8x512xi1>, vector<8x512xf32>
    %slice3A_632 = vector.extract_strided_slice %dot_general3A_6 {offsets = [304, 0], sizes = [8, 512], strides = [1, 1]} : vector<512x512xf32> to vector<8x512xf32>
    %slice3A_633 = vector.extract_strided_slice %get3A_11 {offsets = [304, 0], sizes = [8, 1], strides = [1, 1]} : vector<512x1xf32> to vector<8x1xf32>
    %add3A_634 = vector.broadcast %get3A_14 : vector<1x512xf32> to vector<8x512xf32>
    %add3A_635 = vector.broadcast %slice3A_633 : vector<8x1xf32> to vector<8x512xf32>
    %add3A_636 = arith.addf %add3A_634, %add3A_635 : vector<8x512xf32>
    %sub3A_637 = arith.subf %add3A_636, %slice3A_632 : vector<8x512xf32>
    %mul3A_638 = arith.constant 512 : i32
    %mul3A_639 = arith.muli %arg1, %mul3A_638 : i32
    %add3A_640 = arith.constant 304 : i32
    %add3A_641 = arith.addi %mul3A_639, %add3A_640 : i32
    %convert_element_type3A_642 = arith.sitofp %add3A_641 : i32 to f32
    %add3A_643 = vector.broadcast %convert_element_type3A_642 : f32 to vector<8x512xf32>
    %add3A_644 = arith.addf %convert_element_type3A, %add3A_643 : vector<8x512xf32>
    %lt3A_645 = arith.cmpf olt, %sub3A_637, %select_n3A_630 : vector<8x512xf32>
    %select_n3A_646 = arith.select %lt3A_645, %sub3A_637, %select_n3A_630 : vector<8x512xi1>, vector<8x512xf32>
    %select_n3A_647 = arith.select %lt3A_645, %add3A_644, %select_n3A_631 : vector<8x512xi1>, vector<8x512xf32>
    %slice3A_648 = vector.extract_strided_slice %dot_general3A_6 {offsets = [312, 0], sizes = [8, 512], strides = [1, 1]} : vector<512x512xf32> to vector<8x512xf32>
    %slice3A_649 = vector.extract_strided_slice %get3A_11 {offsets = [312, 0], sizes = [8, 1], strides = [1, 1]} : vector<512x1xf32> to vector<8x1xf32>
    %add3A_650 = vector.broadcast %get3A_14 : vector<1x512xf32> to vector<8x512xf32>
    %add3A_651 = vector.broadcast %slice3A_649 : vector<8x1xf32> to vector<8x512xf32>
    %add3A_652 = arith.addf %add3A_650, %add3A_651 : vector<8x512xf32>
    %sub3A_653 = arith.subf %add3A_652, %slice3A_648 : vector<8x512xf32>
    %mul3A_654 = arith.constant 512 : i32
    %mul3A_655 = arith.muli %arg1, %mul3A_654 : i32
    %add3A_656 = arith.constant 312 : i32
    %add3A_657 = arith.addi %mul3A_655, %add3A_656 : i32
    %convert_element_type3A_658 = arith.sitofp %add3A_657 : i32 to f32
    %add3A_659 = vector.broadcast %convert_element_type3A_658 : f32 to vector<8x512xf32>
    %add3A_660 = arith.addf %convert_element_type3A, %add3A_659 : vector<8x512xf32>
    %lt3A_661 = arith.cmpf olt, %sub3A_653, %select_n3A_646 : vector<8x512xf32>
    %select_n3A_662 = arith.select %lt3A_661, %sub3A_653, %select_n3A_646 : vector<8x512xi1>, vector<8x512xf32>
    %select_n3A_663 = arith.select %lt3A_661, %add3A_660, %select_n3A_647 : vector<8x512xi1>, vector<8x512xf32>
    %slice3A_664 = vector.extract_strided_slice %dot_general3A_6 {offsets = [320, 0], sizes = [8, 512], strides = [1, 1]} : vector<512x512xf32> to vector<8x512xf32>
    %slice3A_665 = vector.extract_strided_slice %get3A_11 {offsets = [320, 0], sizes = [8, 1], strides = [1, 1]} : vector<512x1xf32> to vector<8x1xf32>
    %add3A_666 = vector.broadcast %get3A_14 : vector<1x512xf32> to vector<8x512xf32>
    %add3A_667 = vector.broadcast %slice3A_665 : vector<8x1xf32> to vector<8x512xf32>
    %add3A_668 = arith.addf %add3A_666, %add3A_667 : vector<8x512xf32>
    %sub3A_669 = arith.subf %add3A_668, %slice3A_664 : vector<8x512xf32>
    %mul3A_670 = arith.constant 512 : i32
    %mul3A_671 = arith.muli %arg1, %mul3A_670 : i32
    %add3A_672 = arith.constant 320 : i32
    %add3A_673 = arith.addi %mul3A_671, %add3A_672 : i32
    %convert_element_type3A_674 = arith.sitofp %add3A_673 : i32 to f32
    %add3A_675 = vector.broadcast %convert_element_type3A_674 : f32 to vector<8x512xf32>
    %add3A_676 = arith.addf %convert_element_type3A, %add3A_675 : vector<8x512xf32>
    %lt3A_677 = arith.cmpf olt, %sub3A_669, %select_n3A_662 : vector<8x512xf32>
    %select_n3A_678 = arith.select %lt3A_677, %sub3A_669, %select_n3A_662 : vector<8x512xi1>, vector<8x512xf32>
    %select_n3A_679 = arith.select %lt3A_677, %add3A_676, %select_n3A_663 : vector<8x512xi1>, vector<8x512xf32>
    %slice3A_680 = vector.extract_strided_slice %dot_general3A_6 {offsets = [328, 0], sizes = [8, 512], strides = [1, 1]} : vector<512x512xf32> to vector<8x512xf32>
    %slice3A_681 = vector.extract_strided_slice %get3A_11 {offsets = [328, 0], sizes = [8, 1], strides = [1, 1]} : vector<512x1xf32> to vector<8x1xf32>
    %add3A_682 = vector.broadcast %get3A_14 : vector<1x512xf32> to vector<8x512xf32>
    %add3A_683 = vector.broadcast %slice3A_681 : vector<8x1xf32> to vector<8x512xf32>
    %add3A_684 = arith.addf %add3A_682, %add3A_683 : vector<8x512xf32>
    %sub3A_685 = arith.subf %add3A_684, %slice3A_680 : vector<8x512xf32>
    %mul3A_686 = arith.constant 512 : i32
    %mul3A_687 = arith.muli %arg1, %mul3A_686 : i32
    %add3A_688 = arith.constant 328 : i32
    %add3A_689 = arith.addi %mul3A_687, %add3A_688 : i32
    %convert_element_type3A_690 = arith.sitofp %add3A_689 : i32 to f32
    %add3A_691 = vector.broadcast %convert_element_type3A_690 : f32 to vector<8x512xf32>
    %add3A_692 = arith.addf %convert_element_type3A, %add3A_691 : vector<8x512xf32>
    %lt3A_693 = arith.cmpf olt, %sub3A_685, %select_n3A_678 : vector<8x512xf32>
    %select_n3A_694 = arith.select %lt3A_693, %sub3A_685, %select_n3A_678 : vector<8x512xi1>, vector<8x512xf32>
    %select_n3A_695 = arith.select %lt3A_693, %add3A_692, %select_n3A_679 : vector<8x512xi1>, vector<8x512xf32>
    %slice3A_696 = vector.extract_strided_slice %dot_general3A_6 {offsets = [336, 0], sizes = [8, 512], strides = [1, 1]} : vector<512x512xf32> to vector<8x512xf32>
    %slice3A_697 = vector.extract_strided_slice %get3A_11 {offsets = [336, 0], sizes = [8, 1], strides = [1, 1]} : vector<512x1xf32> to vector<8x1xf32>
    %add3A_698 = vector.broadcast %get3A_14 : vector<1x512xf32> to vector<8x512xf32>
    %add3A_699 = vector.broadcast %slice3A_697 : vector<8x1xf32> to vector<8x512xf32>
    %add3A_700 = arith.addf %add3A_698, %add3A_699 : vector<8x512xf32>
    %sub3A_701 = arith.subf %add3A_700, %slice3A_696 : vector<8x512xf32>
    %mul3A_702 = arith.constant 512 : i32
    %mul3A_703 = arith.muli %arg1, %mul3A_702 : i32
    %add3A_704 = arith.constant 336 : i32
    %add3A_705 = arith.addi %mul3A_703, %add3A_704 : i32
    %convert_element_type3A_706 = arith.sitofp %add3A_705 : i32 to f32
    %add3A_707 = vector.broadcast %convert_element_type3A_706 : f32 to vector<8x512xf32>
    %add3A_708 = arith.addf %convert_element_type3A, %add3A_707 : vector<8x512xf32>
    %lt3A_709 = arith.cmpf olt, %sub3A_701, %select_n3A_694 : vector<8x512xf32>
    %select_n3A_710 = arith.select %lt3A_709, %sub3A_701, %select_n3A_694 : vector<8x512xi1>, vector<8x512xf32>
    %select_n3A_711 = arith.select %lt3A_709, %add3A_708, %select_n3A_695 : vector<8x512xi1>, vector<8x512xf32>
    %slice3A_712 = vector.extract_strided_slice %dot_general3A_6 {offsets = [344, 0], sizes = [8, 512], strides = [1, 1]} : vector<512x512xf32> to vector<8x512xf32>
    %slice3A_713 = vector.extract_strided_slice %get3A_11 {offsets = [344, 0], sizes = [8, 1], strides = [1, 1]} : vector<512x1xf32> to vector<8x1xf32>
    %add3A_714 = vector.broadcast %get3A_14 : vector<1x512xf32> to vector<8x512xf32>
    %add3A_715 = vector.broadcast %slice3A_713 : vector<8x1xf32> to vector<8x512xf32>
    %add3A_716 = arith.addf %add3A_714, %add3A_715 : vector<8x512xf32>
    %sub3A_717 = arith.subf %add3A_716, %slice3A_712 : vector<8x512xf32>
    %mul3A_718 = arith.constant 512 : i32
    %mul3A_719 = arith.muli %arg1, %mul3A_718 : i32
    %add3A_720 = arith.constant 344 : i32
    %add3A_721 = arith.addi %mul3A_719, %add3A_720 : i32
    %convert_element_type3A_722 = arith.sitofp %add3A_721 : i32 to f32
    %add3A_723 = vector.broadcast %convert_element_type3A_722 : f32 to vector<8x512xf32>
    %add3A_724 = arith.addf %convert_element_type3A, %add3A_723 : vector<8x512xf32>
    %lt3A_725 = arith.cmpf olt, %sub3A_717, %select_n3A_710 : vector<8x512xf32>
    %select_n3A_726 = arith.select %lt3A_725, %sub3A_717, %select_n3A_710 : vector<8x512xi1>, vector<8x512xf32>
    %select_n3A_727 = arith.select %lt3A_725, %add3A_724, %select_n3A_711 : vector<8x512xi1>, vector<8x512xf32>
    %slice3A_728 = vector.extract_strided_slice %dot_general3A_6 {offsets = [352, 0], sizes = [8, 512], strides = [1, 1]} : vector<512x512xf32> to vector<8x512xf32>
    %slice3A_729 = vector.extract_strided_slice %get3A_11 {offsets = [352, 0], sizes = [8, 1], strides = [1, 1]} : vector<512x1xf32> to vector<8x1xf32>
    %add3A_730 = vector.broadcast %get3A_14 : vector<1x512xf32> to vector<8x512xf32>
    %add3A_731 = vector.broadcast %slice3A_729 : vector<8x1xf32> to vector<8x512xf32>
    %add3A_732 = arith.addf %add3A_730, %add3A_731 : vector<8x512xf32>
    %sub3A_733 = arith.subf %add3A_732, %slice3A_728 : vector<8x512xf32>
    %mul3A_734 = arith.constant 512 : i32
    %mul3A_735 = arith.muli %arg1, %mul3A_734 : i32
    %add3A_736 = arith.constant 352 : i32
    %add3A_737 = arith.addi %mul3A_735, %add3A_736 : i32
    %convert_element_type3A_738 = arith.sitofp %add3A_737 : i32 to f32
    %add3A_739 = vector.broadcast %convert_element_type3A_738 : f32 to vector<8x512xf32>
    %add3A_740 = arith.addf %convert_element_type3A, %add3A_739 : vector<8x512xf32>
    %lt3A_741 = arith.cmpf olt, %sub3A_733, %select_n3A_726 : vector<8x512xf32>
    %select_n3A_742 = arith.select %lt3A_741, %sub3A_733, %select_n3A_726 : vector<8x512xi1>, vector<8x512xf32>
    %select_n3A_743 = arith.select %lt3A_741, %add3A_740, %select_n3A_727 : vector<8x512xi1>, vector<8x512xf32>
    %slice3A_744 = vector.extract_strided_slice %dot_general3A_6 {offsets = [360, 0], sizes = [8, 512], strides = [1, 1]} : vector<512x512xf32> to vector<8x512xf32>
    %slice3A_745 = vector.extract_strided_slice %get3A_11 {offsets = [360, 0], sizes = [8, 1], strides = [1, 1]} : vector<512x1xf32> to vector<8x1xf32>
    %add3A_746 = vector.broadcast %get3A_14 : vector<1x512xf32> to vector<8x512xf32>
    %add3A_747 = vector.broadcast %slice3A_745 : vector<8x1xf32> to vector<8x512xf32>
    %add3A_748 = arith.addf %add3A_746, %add3A_747 : vector<8x512xf32>
    %sub3A_749 = arith.subf %add3A_748, %slice3A_744 : vector<8x512xf32>
    %mul3A_750 = arith.constant 512 : i32
    %mul3A_751 = arith.muli %arg1, %mul3A_750 : i32
    %add3A_752 = arith.constant 360 : i32
    %add3A_753 = arith.addi %mul3A_751, %add3A_752 : i32
    %convert_element_type3A_754 = arith.sitofp %add3A_753 : i32 to f32
    %add3A_755 = vector.broadcast %convert_element_type3A_754 : f32 to vector<8x512xf32>
    %add3A_756 = arith.addf %convert_element_type3A, %add3A_755 : vector<8x512xf32>
    %lt3A_757 = arith.cmpf olt, %sub3A_749, %select_n3A_742 : vector<8x512xf32>
    %select_n3A_758 = arith.select %lt3A_757, %sub3A_749, %select_n3A_742 : vector<8x512xi1>, vector<8x512xf32>
    %select_n3A_759 = arith.select %lt3A_757, %add3A_756, %select_n3A_743 : vector<8x512xi1>, vector<8x512xf32>
    %slice3A_760 = vector.extract_strided_slice %dot_general3A_6 {offsets = [368, 0], sizes = [8, 512], strides = [1, 1]} : vector<512x512xf32> to vector<8x512xf32>
    %slice3A_761 = vector.extract_strided_slice %get3A_11 {offsets = [368, 0], sizes = [8, 1], strides = [1, 1]} : vector<512x1xf32> to vector<8x1xf32>
    %add3A_762 = vector.broadcast %get3A_14 : vector<1x512xf32> to vector<8x512xf32>
    %add3A_763 = vector.broadcast %slice3A_761 : vector<8x1xf32> to vector<8x512xf32>
    %add3A_764 = arith.addf %add3A_762, %add3A_763 : vector<8x512xf32>
    %sub3A_765 = arith.subf %add3A_764, %slice3A_760 : vector<8x512xf32>
    %mul3A_766 = arith.constant 512 : i32
    %mul3A_767 = arith.muli %arg1, %mul3A_766 : i32
    %add3A_768 = arith.constant 368 : i32
    %add3A_769 = arith.addi %mul3A_767, %add3A_768 : i32
    %convert_element_type3A_770 = arith.sitofp %add3A_769 : i32 to f32
    %add3A_771 = vector.broadcast %convert_element_type3A_770 : f32 to vector<8x512xf32>
    %add3A_772 = arith.addf %convert_element_type3A, %add3A_771 : vector<8x512xf32>
    %lt3A_773 = arith.cmpf olt, %sub3A_765, %select_n3A_758 : vector<8x512xf32>
    %select_n3A_774 = arith.select %lt3A_773, %sub3A_765, %select_n3A_758 : vector<8x512xi1>, vector<8x512xf32>
    %select_n3A_775 = arith.select %lt3A_773, %add3A_772, %select_n3A_759 : vector<8x512xi1>, vector<8x512xf32>
    %slice3A_776 = vector.extract_strided_slice %dot_general3A_6 {offsets = [376, 0], sizes = [8, 512], strides = [1, 1]} : vector<512x512xf32> to vector<8x512xf32>
    %slice3A_777 = vector.extract_strided_slice %get3A_11 {offsets = [376, 0], sizes = [8, 1], strides = [1, 1]} : vector<512x1xf32> to vector<8x1xf32>
    %add3A_778 = vector.broadcast %get3A_14 : vector<1x512xf32> to vector<8x512xf32>
    %add3A_779 = vector.broadcast %slice3A_777 : vector<8x1xf32> to vector<8x512xf32>
    %add3A_780 = arith.addf %add3A_778, %add3A_779 : vector<8x512xf32>
    %sub3A_781 = arith.subf %add3A_780, %slice3A_776 : vector<8x512xf32>
    %mul3A_782 = arith.constant 512 : i32
    %mul3A_783 = arith.muli %arg1, %mul3A_782 : i32
    %add3A_784 = arith.constant 376 : i32
    %add3A_785 = arith.addi %mul3A_783, %add3A_784 : i32
    %convert_element_type3A_786 = arith.sitofp %add3A_785 : i32 to f32
    %add3A_787 = vector.broadcast %convert_element_type3A_786 : f32 to vector<8x512xf32>
    %add3A_788 = arith.addf %convert_element_type3A, %add3A_787 : vector<8x512xf32>
    %lt3A_789 = arith.cmpf olt, %sub3A_781, %select_n3A_774 : vector<8x512xf32>
    %select_n3A_790 = arith.select %lt3A_789, %sub3A_781, %select_n3A_774 : vector<8x512xi1>, vector<8x512xf32>
    %select_n3A_791 = arith.select %lt3A_789, %add3A_788, %select_n3A_775 : vector<8x512xi1>, vector<8x512xf32>
    %slice3A_792 = vector.extract_strided_slice %dot_general3A_6 {offsets = [384, 0], sizes = [8, 512], strides = [1, 1]} : vector<512x512xf32> to vector<8x512xf32>
    %slice3A_793 = vector.extract_strided_slice %get3A_11 {offsets = [384, 0], sizes = [8, 1], strides = [1, 1]} : vector<512x1xf32> to vector<8x1xf32>
    %add3A_794 = vector.broadcast %get3A_14 : vector<1x512xf32> to vector<8x512xf32>
    %add3A_795 = vector.broadcast %slice3A_793 : vector<8x1xf32> to vector<8x512xf32>
    %add3A_796 = arith.addf %add3A_794, %add3A_795 : vector<8x512xf32>
    %sub3A_797 = arith.subf %add3A_796, %slice3A_792 : vector<8x512xf32>
    %mul3A_798 = arith.constant 512 : i32
    %mul3A_799 = arith.muli %arg1, %mul3A_798 : i32
    %add3A_800 = arith.constant 384 : i32
    %add3A_801 = arith.addi %mul3A_799, %add3A_800 : i32
    %convert_element_type3A_802 = arith.sitofp %add3A_801 : i32 to f32
    %add3A_803 = vector.broadcast %convert_element_type3A_802 : f32 to vector<8x512xf32>
    %add3A_804 = arith.addf %convert_element_type3A, %add3A_803 : vector<8x512xf32>
    %lt3A_805 = arith.cmpf olt, %sub3A_797, %select_n3A_790 : vector<8x512xf32>
    %select_n3A_806 = arith.select %lt3A_805, %sub3A_797, %select_n3A_790 : vector<8x512xi1>, vector<8x512xf32>
    %select_n3A_807 = arith.select %lt3A_805, %add3A_804, %select_n3A_791 : vector<8x512xi1>, vector<8x512xf32>
    %slice3A_808 = vector.extract_strided_slice %dot_general3A_6 {offsets = [392, 0], sizes = [8, 512], strides = [1, 1]} : vector<512x512xf32> to vector<8x512xf32>
    %slice3A_809 = vector.extract_strided_slice %get3A_11 {offsets = [392, 0], sizes = [8, 1], strides = [1, 1]} : vector<512x1xf32> to vector<8x1xf32>
    %add3A_810 = vector.broadcast %get3A_14 : vector<1x512xf32> to vector<8x512xf32>
    %add3A_811 = vector.broadcast %slice3A_809 : vector<8x1xf32> to vector<8x512xf32>
    %add3A_812 = arith.addf %add3A_810, %add3A_811 : vector<8x512xf32>
    %sub3A_813 = arith.subf %add3A_812, %slice3A_808 : vector<8x512xf32>
    %mul3A_814 = arith.constant 512 : i32
    %mul3A_815 = arith.muli %arg1, %mul3A_814 : i32
    %add3A_816 = arith.constant 392 : i32
    %add3A_817 = arith.addi %mul3A_815, %add3A_816 : i32
    %convert_element_type3A_818 = arith.sitofp %add3A_817 : i32 to f32
    %add3A_819 = vector.broadcast %convert_element_type3A_818 : f32 to vector<8x512xf32>
    %add3A_820 = arith.addf %convert_element_type3A, %add3A_819 : vector<8x512xf32>
    %lt3A_821 = arith.cmpf olt, %sub3A_813, %select_n3A_806 : vector<8x512xf32>
    %select_n3A_822 = arith.select %lt3A_821, %sub3A_813, %select_n3A_806 : vector<8x512xi1>, vector<8x512xf32>
    %select_n3A_823 = arith.select %lt3A_821, %add3A_820, %select_n3A_807 : vector<8x512xi1>, vector<8x512xf32>
    %slice3A_824 = vector.extract_strided_slice %dot_general3A_6 {offsets = [400, 0], sizes = [8, 512], strides = [1, 1]} : vector<512x512xf32> to vector<8x512xf32>
    %slice3A_825 = vector.extract_strided_slice %get3A_11 {offsets = [400, 0], sizes = [8, 1], strides = [1, 1]} : vector<512x1xf32> to vector<8x1xf32>
    %add3A_826 = vector.broadcast %get3A_14 : vector<1x512xf32> to vector<8x512xf32>
    %add3A_827 = vector.broadcast %slice3A_825 : vector<8x1xf32> to vector<8x512xf32>
    %add3A_828 = arith.addf %add3A_826, %add3A_827 : vector<8x512xf32>
    %sub3A_829 = arith.subf %add3A_828, %slice3A_824 : vector<8x512xf32>
    %mul3A_830 = arith.constant 512 : i32
    %mul3A_831 = arith.muli %arg1, %mul3A_830 : i32
    %add3A_832 = arith.constant 400 : i32
    %add3A_833 = arith.addi %mul3A_831, %add3A_832 : i32
    %convert_element_type3A_834 = arith.sitofp %add3A_833 : i32 to f32
    %add3A_835 = vector.broadcast %convert_element_type3A_834 : f32 to vector<8x512xf32>
    %add3A_836 = arith.addf %convert_element_type3A, %add3A_835 : vector<8x512xf32>
    %lt3A_837 = arith.cmpf olt, %sub3A_829, %select_n3A_822 : vector<8x512xf32>
    %select_n3A_838 = arith.select %lt3A_837, %sub3A_829, %select_n3A_822 : vector<8x512xi1>, vector<8x512xf32>
    %select_n3A_839 = arith.select %lt3A_837, %add3A_836, %select_n3A_823 : vector<8x512xi1>, vector<8x512xf32>
    %slice3A_840 = vector.extract_strided_slice %dot_general3A_6 {offsets = [408, 0], sizes = [8, 512], strides = [1, 1]} : vector<512x512xf32> to vector<8x512xf32>
    %slice3A_841 = vector.extract_strided_slice %get3A_11 {offsets = [408, 0], sizes = [8, 1], strides = [1, 1]} : vector<512x1xf32> to vector<8x1xf32>
    %add3A_842 = vector.broadcast %get3A_14 : vector<1x512xf32> to vector<8x512xf32>
    %add3A_843 = vector.broadcast %slice3A_841 : vector<8x1xf32> to vector<8x512xf32>
    %add3A_844 = arith.addf %add3A_842, %add3A_843 : vector<8x512xf32>
    %sub3A_845 = arith.subf %add3A_844, %slice3A_840 : vector<8x512xf32>
    %mul3A_846 = arith.constant 512 : i32
    %mul3A_847 = arith.muli %arg1, %mul3A_846 : i32
    %add3A_848 = arith.constant 408 : i32
    %add3A_849 = arith.addi %mul3A_847, %add3A_848 : i32
    %convert_element_type3A_850 = arith.sitofp %add3A_849 : i32 to f32
    %add3A_851 = vector.broadcast %convert_element_type3A_850 : f32 to vector<8x512xf32>
    %add3A_852 = arith.addf %convert_element_type3A, %add3A_851 : vector<8x512xf32>
    %lt3A_853 = arith.cmpf olt, %sub3A_845, %select_n3A_838 : vector<8x512xf32>
    %select_n3A_854 = arith.select %lt3A_853, %sub3A_845, %select_n3A_838 : vector<8x512xi1>, vector<8x512xf32>
    %select_n3A_855 = arith.select %lt3A_853, %add3A_852, %select_n3A_839 : vector<8x512xi1>, vector<8x512xf32>
    %slice3A_856 = vector.extract_strided_slice %dot_general3A_6 {offsets = [416, 0], sizes = [8, 512], strides = [1, 1]} : vector<512x512xf32> to vector<8x512xf32>
    %slice3A_857 = vector.extract_strided_slice %get3A_11 {offsets = [416, 0], sizes = [8, 1], strides = [1, 1]} : vector<512x1xf32> to vector<8x1xf32>
    %add3A_858 = vector.broadcast %get3A_14 : vector<1x512xf32> to vector<8x512xf32>
    %add3A_859 = vector.broadcast %slice3A_857 : vector<8x1xf32> to vector<8x512xf32>
    %add3A_860 = arith.addf %add3A_858, %add3A_859 : vector<8x512xf32>
    %sub3A_861 = arith.subf %add3A_860, %slice3A_856 : vector<8x512xf32>
    %mul3A_862 = arith.constant 512 : i32
    %mul3A_863 = arith.muli %arg1, %mul3A_862 : i32
    %add3A_864 = arith.constant 416 : i32
    %add3A_865 = arith.addi %mul3A_863, %add3A_864 : i32
    %convert_element_type3A_866 = arith.sitofp %add3A_865 : i32 to f32
    %add3A_867 = vector.broadcast %convert_element_type3A_866 : f32 to vector<8x512xf32>
    %add3A_868 = arith.addf %convert_element_type3A, %add3A_867 : vector<8x512xf32>
    %lt3A_869 = arith.cmpf olt, %sub3A_861, %select_n3A_854 : vector<8x512xf32>
    %select_n3A_870 = arith.select %lt3A_869, %sub3A_861, %select_n3A_854 : vector<8x512xi1>, vector<8x512xf32>
    %select_n3A_871 = arith.select %lt3A_869, %add3A_868, %select_n3A_855 : vector<8x512xi1>, vector<8x512xf32>
    %slice3A_872 = vector.extract_strided_slice %dot_general3A_6 {offsets = [424, 0], sizes = [8, 512], strides = [1, 1]} : vector<512x512xf32> to vector<8x512xf32>
    %slice3A_873 = vector.extract_strided_slice %get3A_11 {offsets = [424, 0], sizes = [8, 1], strides = [1, 1]} : vector<512x1xf32> to vector<8x1xf32>
    %add3A_874 = vector.broadcast %get3A_14 : vector<1x512xf32> to vector<8x512xf32>
    %add3A_875 = vector.broadcast %slice3A_873 : vector<8x1xf32> to vector<8x512xf32>
    %add3A_876 = arith.addf %add3A_874, %add3A_875 : vector<8x512xf32>
    %sub3A_877 = arith.subf %add3A_876, %slice3A_872 : vector<8x512xf32>
    %mul3A_878 = arith.constant 512 : i32
    %mul3A_879 = arith.muli %arg1, %mul3A_878 : i32
    %add3A_880 = arith.constant 424 : i32
    %add3A_881 = arith.addi %mul3A_879, %add3A_880 : i32
    %convert_element_type3A_882 = arith.sitofp %add3A_881 : i32 to f32
    %add3A_883 = vector.broadcast %convert_element_type3A_882 : f32 to vector<8x512xf32>
    %add3A_884 = arith.addf %convert_element_type3A, %add3A_883 : vector<8x512xf32>
    %lt3A_885 = arith.cmpf olt, %sub3A_877, %select_n3A_870 : vector<8x512xf32>
    %select_n3A_886 = arith.select %lt3A_885, %sub3A_877, %select_n3A_870 : vector<8x512xi1>, vector<8x512xf32>
    %select_n3A_887 = arith.select %lt3A_885, %add3A_884, %select_n3A_871 : vector<8x512xi1>, vector<8x512xf32>
    %slice3A_888 = vector.extract_strided_slice %dot_general3A_6 {offsets = [432, 0], sizes = [8, 512], strides = [1, 1]} : vector<512x512xf32> to vector<8x512xf32>
    %slice3A_889 = vector.extract_strided_slice %get3A_11 {offsets = [432, 0], sizes = [8, 1], strides = [1, 1]} : vector<512x1xf32> to vector<8x1xf32>
    %add3A_890 = vector.broadcast %get3A_14 : vector<1x512xf32> to vector<8x512xf32>
    %add3A_891 = vector.broadcast %slice3A_889 : vector<8x1xf32> to vector<8x512xf32>
    %add3A_892 = arith.addf %add3A_890, %add3A_891 : vector<8x512xf32>
    %sub3A_893 = arith.subf %add3A_892, %slice3A_888 : vector<8x512xf32>
    %mul3A_894 = arith.constant 512 : i32
    %mul3A_895 = arith.muli %arg1, %mul3A_894 : i32
    %add3A_896 = arith.constant 432 : i32
    %add3A_897 = arith.addi %mul3A_895, %add3A_896 : i32
    %convert_element_type3A_898 = arith.sitofp %add3A_897 : i32 to f32
    %add3A_899 = vector.broadcast %convert_element_type3A_898 : f32 to vector<8x512xf32>
    %add3A_900 = arith.addf %convert_element_type3A, %add3A_899 : vector<8x512xf32>
    %lt3A_901 = arith.cmpf olt, %sub3A_893, %select_n3A_886 : vector<8x512xf32>
    %select_n3A_902 = arith.select %lt3A_901, %sub3A_893, %select_n3A_886 : vector<8x512xi1>, vector<8x512xf32>
    %select_n3A_903 = arith.select %lt3A_901, %add3A_900, %select_n3A_887 : vector<8x512xi1>, vector<8x512xf32>
    %slice3A_904 = vector.extract_strided_slice %dot_general3A_6 {offsets = [440, 0], sizes = [8, 512], strides = [1, 1]} : vector<512x512xf32> to vector<8x512xf32>
    %slice3A_905 = vector.extract_strided_slice %get3A_11 {offsets = [440, 0], sizes = [8, 1], strides = [1, 1]} : vector<512x1xf32> to vector<8x1xf32>
    %add3A_906 = vector.broadcast %get3A_14 : vector<1x512xf32> to vector<8x512xf32>
    %add3A_907 = vector.broadcast %slice3A_905 : vector<8x1xf32> to vector<8x512xf32>
    %add3A_908 = arith.addf %add3A_906, %add3A_907 : vector<8x512xf32>
    %sub3A_909 = arith.subf %add3A_908, %slice3A_904 : vector<8x512xf32>
    %mul3A_910 = arith.constant 512 : i32
    %mul3A_911 = arith.muli %arg1, %mul3A_910 : i32
    %add3A_912 = arith.constant 440 : i32
    %add3A_913 = arith.addi %mul3A_911, %add3A_912 : i32
    %convert_element_type3A_914 = arith.sitofp %add3A_913 : i32 to f32
    %add3A_915 = vector.broadcast %convert_element_type3A_914 : f32 to vector<8x512xf32>
    %add3A_916 = arith.addf %convert_element_type3A, %add3A_915 : vector<8x512xf32>
    %lt3A_917 = arith.cmpf olt, %sub3A_909, %select_n3A_902 : vector<8x512xf32>
    %select_n3A_918 = arith.select %lt3A_917, %sub3A_909, %select_n3A_902 : vector<8x512xi1>, vector<8x512xf32>
    %select_n3A_919 = arith.select %lt3A_917, %add3A_916, %select_n3A_903 : vector<8x512xi1>, vector<8x512xf32>
    %slice3A_920 = vector.extract_strided_slice %dot_general3A_6 {offsets = [448, 0], sizes = [8, 512], strides = [1, 1]} : vector<512x512xf32> to vector<8x512xf32>
    %slice3A_921 = vector.extract_strided_slice %get3A_11 {offsets = [448, 0], sizes = [8, 1], strides = [1, 1]} : vector<512x1xf32> to vector<8x1xf32>
    %add3A_922 = vector.broadcast %get3A_14 : vector<1x512xf32> to vector<8x512xf32>
    %add3A_923 = vector.broadcast %slice3A_921 : vector<8x1xf32> to vector<8x512xf32>
    %add3A_924 = arith.addf %add3A_922, %add3A_923 : vector<8x512xf32>
    %sub3A_925 = arith.subf %add3A_924, %slice3A_920 : vector<8x512xf32>
    %mul3A_926 = arith.constant 512 : i32
    %mul3A_927 = arith.muli %arg1, %mul3A_926 : i32
    %add3A_928 = arith.constant 448 : i32
    %add3A_929 = arith.addi %mul3A_927, %add3A_928 : i32
    %convert_element_type3A_930 = arith.sitofp %add3A_929 : i32 to f32
    %add3A_931 = vector.broadcast %convert_element_type3A_930 : f32 to vector<8x512xf32>
    %add3A_932 = arith.addf %convert_element_type3A, %add3A_931 : vector<8x512xf32>
    %lt3A_933 = arith.cmpf olt, %sub3A_925, %select_n3A_918 : vector<8x512xf32>
    %select_n3A_934 = arith.select %lt3A_933, %sub3A_925, %select_n3A_918 : vector<8x512xi1>, vector<8x512xf32>
    %select_n3A_935 = arith.select %lt3A_933, %add3A_932, %select_n3A_919 : vector<8x512xi1>, vector<8x512xf32>
    %slice3A_936 = vector.extract_strided_slice %dot_general3A_6 {offsets = [456, 0], sizes = [8, 512], strides = [1, 1]} : vector<512x512xf32> to vector<8x512xf32>
    %slice3A_937 = vector.extract_strided_slice %get3A_11 {offsets = [456, 0], sizes = [8, 1], strides = [1, 1]} : vector<512x1xf32> to vector<8x1xf32>
    %add3A_938 = vector.broadcast %get3A_14 : vector<1x512xf32> to vector<8x512xf32>
    %add3A_939 = vector.broadcast %slice3A_937 : vector<8x1xf32> to vector<8x512xf32>
    %add3A_940 = arith.addf %add3A_938, %add3A_939 : vector<8x512xf32>
    %sub3A_941 = arith.subf %add3A_940, %slice3A_936 : vector<8x512xf32>
    %mul3A_942 = arith.constant 512 : i32
    %mul3A_943 = arith.muli %arg1, %mul3A_942 : i32
    %add3A_944 = arith.constant 456 : i32
    %add3A_945 = arith.addi %mul3A_943, %add3A_944 : i32
    %convert_element_type3A_946 = arith.sitofp %add3A_945 : i32 to f32
    %add3A_947 = vector.broadcast %convert_element_type3A_946 : f32 to vector<8x512xf32>
    %add3A_948 = arith.addf %convert_element_type3A, %add3A_947 : vector<8x512xf32>
    %lt3A_949 = arith.cmpf olt, %sub3A_941, %select_n3A_934 : vector<8x512xf32>
    %select_n3A_950 = arith.select %lt3A_949, %sub3A_941, %select_n3A_934 : vector<8x512xi1>, vector<8x512xf32>
    %select_n3A_951 = arith.select %lt3A_949, %add3A_948, %select_n3A_935 : vector<8x512xi1>, vector<8x512xf32>
    %slice3A_952 = vector.extract_strided_slice %dot_general3A_6 {offsets = [464, 0], sizes = [8, 512], strides = [1, 1]} : vector<512x512xf32> to vector<8x512xf32>
    %slice3A_953 = vector.extract_strided_slice %get3A_11 {offsets = [464, 0], sizes = [8, 1], strides = [1, 1]} : vector<512x1xf32> to vector<8x1xf32>
    %add3A_954 = vector.broadcast %get3A_14 : vector<1x512xf32> to vector<8x512xf32>
    %add3A_955 = vector.broadcast %slice3A_953 : vector<8x1xf32> to vector<8x512xf32>
    %add3A_956 = arith.addf %add3A_954, %add3A_955 : vector<8x512xf32>
    %sub3A_957 = arith.subf %add3A_956, %slice3A_952 : vector<8x512xf32>
    %mul3A_958 = arith.constant 512 : i32
    %mul3A_959 = arith.muli %arg1, %mul3A_958 : i32
    %add3A_960 = arith.constant 464 : i32
    %add3A_961 = arith.addi %mul3A_959, %add3A_960 : i32
    %convert_element_type3A_962 = arith.sitofp %add3A_961 : i32 to f32
    %add3A_963 = vector.broadcast %convert_element_type3A_962 : f32 to vector<8x512xf32>
    %add3A_964 = arith.addf %convert_element_type3A, %add3A_963 : vector<8x512xf32>
    %lt3A_965 = arith.cmpf olt, %sub3A_957, %select_n3A_950 : vector<8x512xf32>
    %select_n3A_966 = arith.select %lt3A_965, %sub3A_957, %select_n3A_950 : vector<8x512xi1>, vector<8x512xf32>
    %select_n3A_967 = arith.select %lt3A_965, %add3A_964, %select_n3A_951 : vector<8x512xi1>, vector<8x512xf32>
    %slice3A_968 = vector.extract_strided_slice %dot_general3A_6 {offsets = [472, 0], sizes = [8, 512], strides = [1, 1]} : vector<512x512xf32> to vector<8x512xf32>
    %slice3A_969 = vector.extract_strided_slice %get3A_11 {offsets = [472, 0], sizes = [8, 1], strides = [1, 1]} : vector<512x1xf32> to vector<8x1xf32>
    %add3A_970 = vector.broadcast %get3A_14 : vector<1x512xf32> to vector<8x512xf32>
    %add3A_971 = vector.broadcast %slice3A_969 : vector<8x1xf32> to vector<8x512xf32>
    %add3A_972 = arith.addf %add3A_970, %add3A_971 : vector<8x512xf32>
    %sub3A_973 = arith.subf %add3A_972, %slice3A_968 : vector<8x512xf32>
    %mul3A_974 = arith.constant 512 : i32
    %mul3A_975 = arith.muli %arg1, %mul3A_974 : i32
    %add3A_976 = arith.constant 472 : i32
    %add3A_977 = arith.addi %mul3A_975, %add3A_976 : i32
    %convert_element_type3A_978 = arith.sitofp %add3A_977 : i32 to f32
    %add3A_979 = vector.broadcast %convert_element_type3A_978 : f32 to vector<8x512xf32>
    %add3A_980 = arith.addf %convert_element_type3A, %add3A_979 : vector<8x512xf32>
    %lt3A_981 = arith.cmpf olt, %sub3A_973, %select_n3A_966 : vector<8x512xf32>
    %select_n3A_982 = arith.select %lt3A_981, %sub3A_973, %select_n3A_966 : vector<8x512xi1>, vector<8x512xf32>
    %select_n3A_983 = arith.select %lt3A_981, %add3A_980, %select_n3A_967 : vector<8x512xi1>, vector<8x512xf32>
    %slice3A_984 = vector.extract_strided_slice %dot_general3A_6 {offsets = [480, 0], sizes = [8, 512], strides = [1, 1]} : vector<512x512xf32> to vector<8x512xf32>
    %slice3A_985 = vector.extract_strided_slice %get3A_11 {offsets = [480, 0], sizes = [8, 1], strides = [1, 1]} : vector<512x1xf32> to vector<8x1xf32>
    %add3A_986 = vector.broadcast %get3A_14 : vector<1x512xf32> to vector<8x512xf32>
    %add3A_987 = vector.broadcast %slice3A_985 : vector<8x1xf32> to vector<8x512xf32>
    %add3A_988 = arith.addf %add3A_986, %add3A_987 : vector<8x512xf32>
    %sub3A_989 = arith.subf %add3A_988, %slice3A_984 : vector<8x512xf32>
    %mul3A_990 = arith.constant 512 : i32
    %mul3A_991 = arith.muli %arg1, %mul3A_990 : i32
    %add3A_992 = arith.constant 480 : i32
    %add3A_993 = arith.addi %mul3A_991, %add3A_992 : i32
    %convert_element_type3A_994 = arith.sitofp %add3A_993 : i32 to f32
    %add3A_995 = vector.broadcast %convert_element_type3A_994 : f32 to vector<8x512xf32>
    %add3A_996 = arith.addf %convert_element_type3A, %add3A_995 : vector<8x512xf32>
    %lt3A_997 = arith.cmpf olt, %sub3A_989, %select_n3A_982 : vector<8x512xf32>
    %select_n3A_998 = arith.select %lt3A_997, %sub3A_989, %select_n3A_982 : vector<8x512xi1>, vector<8x512xf32>
    %select_n3A_999 = arith.select %lt3A_997, %add3A_996, %select_n3A_983 : vector<8x512xi1>, vector<8x512xf32>
    %slice3A_1000 = vector.extract_strided_slice %dot_general3A_6 {offsets = [488, 0], sizes = [8, 512], strides = [1, 1]} : vector<512x512xf32> to vector<8x512xf32>
    %slice3A_1001 = vector.extract_strided_slice %get3A_11 {offsets = [488, 0], sizes = [8, 1], strides = [1, 1]} : vector<512x1xf32> to vector<8x1xf32>
    %add3A_1002 = vector.broadcast %get3A_14 : vector<1x512xf32> to vector<8x512xf32>
    %add3A_1003 = vector.broadcast %slice3A_1001 : vector<8x1xf32> to vector<8x512xf32>
    %add3A_1004 = arith.addf %add3A_1002, %add3A_1003 : vector<8x512xf32>
    %sub3A_1005 = arith.subf %add3A_1004, %slice3A_1000 : vector<8x512xf32>
    %mul3A_1006 = arith.constant 512 : i32
    %mul3A_1007 = arith.muli %arg1, %mul3A_1006 : i32
    %add3A_1008 = arith.constant 488 : i32
    %add3A_1009 = arith.addi %mul3A_1007, %add3A_1008 : i32
    %convert_element_type3A_1010 = arith.sitofp %add3A_1009 : i32 to f32
    %add3A_1011 = vector.broadcast %convert_element_type3A_1010 : f32 to vector<8x512xf32>
    %add3A_1012 = arith.addf %convert_element_type3A, %add3A_1011 : vector<8x512xf32>
    %lt3A_1013 = arith.cmpf olt, %sub3A_1005, %select_n3A_998 : vector<8x512xf32>
    %select_n3A_1014 = arith.select %lt3A_1013, %sub3A_1005, %select_n3A_998 : vector<8x512xi1>, vector<8x512xf32>
    %select_n3A_1015 = arith.select %lt3A_1013, %add3A_1012, %select_n3A_999 : vector<8x512xi1>, vector<8x512xf32>
    %slice3A_1016 = vector.extract_strided_slice %dot_general3A_6 {offsets = [496, 0], sizes = [8, 512], strides = [1, 1]} : vector<512x512xf32> to vector<8x512xf32>
    %slice3A_1017 = vector.extract_strided_slice %get3A_11 {offsets = [496, 0], sizes = [8, 1], strides = [1, 1]} : vector<512x1xf32> to vector<8x1xf32>
    %add3A_1018 = vector.broadcast %get3A_14 : vector<1x512xf32> to vector<8x512xf32>
    %add3A_1019 = vector.broadcast %slice3A_1017 : vector<8x1xf32> to vector<8x512xf32>
    %add3A_1020 = arith.addf %add3A_1018, %add3A_1019 : vector<8x512xf32>
    %sub3A_1021 = arith.subf %add3A_1020, %slice3A_1016 : vector<8x512xf32>
    %mul3A_1022 = arith.constant 512 : i32
    %mul3A_1023 = arith.muli %arg1, %mul3A_1022 : i32
    %add3A_1024 = arith.constant 496 : i32
    %add3A_1025 = arith.addi %mul3A_1023, %add3A_1024 : i32
    %convert_element_type3A_1026 = arith.sitofp %add3A_1025 : i32 to f32
    %add3A_1027 = vector.broadcast %convert_element_type3A_1026 : f32 to vector<8x512xf32>
    %add3A_1028 = arith.addf %convert_element_type3A, %add3A_1027 : vector<8x512xf32>
    %lt3A_1029 = arith.cmpf olt, %sub3A_1021, %select_n3A_1014 : vector<8x512xf32>
    %select_n3A_1030 = arith.select %lt3A_1029, %sub3A_1021, %select_n3A_1014 : vector<8x512xi1>, vector<8x512xf32>
    %select_n3A_1031 = arith.select %lt3A_1029, %add3A_1028, %select_n3A_1015 : vector<8x512xi1>, vector<8x512xf32>
    %slice3A_1032 = vector.extract_strided_slice %dot_general3A_6 {offsets = [504, 0], sizes = [8, 512], strides = [1, 1]} : vector<512x512xf32> to vector<8x512xf32>
    %slice3A_1033 = vector.extract_strided_slice %get3A_11 {offsets = [504, 0], sizes = [8, 1], strides = [1, 1]} : vector<512x1xf32> to vector<8x1xf32>
    %add3A_1034 = vector.broadcast %get3A_14 : vector<1x512xf32> to vector<8x512xf32>
    %add3A_1035 = vector.broadcast %slice3A_1033 : vector<8x1xf32> to vector<8x512xf32>
    %add3A_1036 = arith.addf %add3A_1034, %add3A_1035 : vector<8x512xf32>
    %sub3A_1037 = arith.subf %add3A_1036, %slice3A_1032 : vector<8x512xf32>
    %mul3A_1038 = arith.constant 512 : i32
    %mul3A_1039 = arith.muli %arg1, %mul3A_1038 : i32
    %add3A_1040 = arith.constant 504 : i32
    %add3A_1041 = arith.addi %mul3A_1039, %add3A_1040 : i32
    %convert_element_type3A_1042 = arith.sitofp %add3A_1041 : i32 to f32
    %add3A_1043 = vector.broadcast %convert_element_type3A_1042 : f32 to vector<8x512xf32>
    %add3A_1044 = arith.addf %convert_element_type3A, %add3A_1043 : vector<8x512xf32>
    %lt3A_1045 = arith.cmpf olt, %sub3A_1037, %select_n3A_1030 : vector<8x512xf32>
    %select_n3A_1046 = arith.select %lt3A_1045, %sub3A_1037, %select_n3A_1030 : vector<8x512xi1>, vector<8x512xf32>
    %select_n3A_1047 = arith.select %lt3A_1045, %add3A_1044, %select_n3A_1031 : vector<8x512xi1>, vector<8x512xf32>
    %swap3A = arith.constant 0 : index
    %swap3A_1048 = arith.constant 0 : index
    %swap3A_1049 = vector.load %arg8[%swap3A, %swap3A_1048] : memref<8x512xf32, #tpu.memory_space<vmem>>, vector<8x512xf32>
    tpu.vector_store %arg8[%swap3A, %swap3A_1048], %select_n3A_1046 {strides = array<i32>} : memref<8x512xf32, #tpu.memory_space<vmem>>, vector<8x512xf32>,
    %swap3A_1050 = arith.constant 0 : index
    %swap3A_1051 = arith.constant 0 : index
    %swap3A_1052 = vector.load %arg9[%swap3A_1050, %swap3A_1051] : memref<8x512xf32, #tpu.memory_space<vmem>>, vector<8x512xf32>
    tpu.vector_store %arg9[%swap3A_1050, %swap3A_1051], %select_n3A_1047 {strides = array<i32>} : memref<8x512xf32, #tpu.memory_space<vmem>>, vector<8x512xf32>,
    %eq3A_1053 = arith.constant 15 : i32
    %eq3A_1054 = arith.cmpi eq, %arg1, %eq3A_1053 : i32
    %convert_element_type3A_1055 = arith.extui %eq3A_1054 : i1 to i32
    %cond3A = arith.constant 0 : i32
    %cond3A_1056 = arith.cmpi ne, %convert_element_type3A_1055, %cond3A : i32
    scf.if %cond3A_1056 {
      %slice3A_1057 = vector.extract_strided_slice %select_n3A_1046 {offsets = [0, 0], sizes = [1, 512], strides = [1, 1]} : vector<8x512xf32> to vector<1x512xf32>
      %slice3A_1058 = vector.extract_strided_slice %select_n3A_1046 {offsets = [1, 0], sizes = [1, 512], strides = [1, 1]} : vector<8x512xf32> to vector<1x512xf32>
      %slice3A_1059 = vector.extract_strided_slice %select_n3A_1046 {offsets = [2, 0], sizes = [1, 512], strides = [1, 1]} : vector<8x512xf32> to vector<1x512xf32>
      %slice3A_1060 = vector.extract_strided_slice %select_n3A_1046 {offsets = [3, 0], sizes = [1, 512], strides = [1, 1]} : vector<8x512xf32> to vector<1x512xf32>
      %slice3A_1061 = vector.extract_strided_slice %select_n3A_1046 {offsets = [4, 0], sizes = [1, 512], strides = [1, 1]} : vector<8x512xf32> to vector<1x512xf32>
      %slice3A_1062 = vector.extract_strided_slice %select_n3A_1046 {offsets = [5, 0], sizes = [1, 512], strides = [1, 1]} : vector<8x512xf32> to vector<1x512xf32>
      %slice3A_1063 = vector.extract_strided_slice %select_n3A_1046 {offsets = [6, 0], sizes = [1, 512], strides = [1, 1]} : vector<8x512xf32> to vector<1x512xf32>
      %slice3A_1064 = vector.extract_strided_slice %select_n3A_1046 {offsets = [7, 0], sizes = [1, 512], strides = [1, 1]} : vector<8x512xf32> to vector<1x512xf32>
      %slice3A_1065 = vector.extract_strided_slice %select_n3A_1047 {offsets = [0, 0], sizes = [1, 512], strides = [1, 1]} : vector<8x512xf32> to vector<1x512xf32>
      %slice3A_1066 = vector.extract_strided_slice %select_n3A_1047 {offsets = [1, 0], sizes = [1, 512], strides = [1, 1]} : vector<8x512xf32> to vector<1x512xf32>
      %slice3A_1067 = vector.extract_strided_slice %select_n3A_1047 {offsets = [2, 0], sizes = [1, 512], strides = [1, 1]} : vector<8x512xf32> to vector<1x512xf32>
      %slice3A_1068 = vector.extract_strided_slice %select_n3A_1047 {offsets = [3, 0], sizes = [1, 512], strides = [1, 1]} : vector<8x512xf32> to vector<1x512xf32>
      %slice3A_1069 = vector.extract_strided_slice %select_n3A_1047 {offsets = [4, 0], sizes = [1, 512], strides = [1, 1]} : vector<8x512xf32> to vector<1x512xf32>
      %slice3A_1070 = vector.extract_strided_slice %select_n3A_1047 {offsets = [5, 0], sizes = [1, 512], strides = [1, 1]} : vector<8x512xf32> to vector<1x512xf32>
      %slice3A_1071 = vector.extract_strided_slice %select_n3A_1047 {offsets = [6, 0], sizes = [1, 512], strides = [1, 1]} : vector<8x512xf32> to vector<1x512xf32>
      %slice3A_1072 = vector.extract_strided_slice %select_n3A_1047 {offsets = [7, 0], sizes = [1, 512], strides = [1, 1]} : vector<8x512xf32> to vector<1x512xf32>
      %lt3A_1073 = arith.cmpf olt, %slice3A_1057, %slice3A_1058 : vector<1x512xf32>
      %eq3A_1074 = arith.cmpf oeq, %slice3A_1057, %slice3A_1058 : vector<1x512xf32>
      %lt3A_1075 = arith.cmpf olt, %slice3A_1065, %slice3A_1066 : vector<1x512xf32>
      %and3A = arith.andi %eq3A_1074, %lt3A_1075 : vector<1x512xi1>
      %or3A = arith.ori %lt3A_1073, %and3A : vector<1x512xi1>
      %select_n3A_1076 = arith.select %or3A, %slice3A_1057, %slice3A_1058 : vector<1x512xi1>, vector<1x512xf32>
      %select_n3A_1077 = arith.select %or3A, %slice3A_1065, %slice3A_1066 : vector<1x512xi1>, vector<1x512xf32>
      %lt3A_1078 = arith.cmpf olt, %slice3A_1059, %slice3A_1060 : vector<1x512xf32>
      %eq3A_1079 = arith.cmpf oeq, %slice3A_1059, %slice3A_1060 : vector<1x512xf32>
      %lt3A_1080 = arith.cmpf olt, %slice3A_1067, %slice3A_1068 : vector<1x512xf32>
      %and3A_1081 = arith.andi %eq3A_1079, %lt3A_1080 : vector<1x512xi1>
      %or3A_1082 = arith.ori %lt3A_1078, %and3A_1081 : vector<1x512xi1>
      %select_n3A_1083 = arith.select %or3A_1082, %slice3A_1059, %slice3A_1060 : vector<1x512xi1>, vector<1x512xf32>
      %select_n3A_1084 = arith.select %or3A_1082, %slice3A_1067, %slice3A_1068 : vector<1x512xi1>, vector<1x512xf32>
      %lt3A_1085 = arith.cmpf olt, %slice3A_1061, %slice3A_1062 : vector<1x512xf32>
      %eq3A_1086 = arith.cmpf oeq, %slice3A_1061, %slice3A_1062 : vector<1x512xf32>
      %lt3A_1087 = arith.cmpf olt, %slice3A_1069, %slice3A_1070 : vector<1x512xf32>
      %and3A_1088 = arith.andi %eq3A_1086, %lt3A_1087 : vector<1x512xi1>
      %or3A_1089 = arith.ori %lt3A_1085, %and3A_1088 : vector<1x512xi1>
      %select_n3A_1090 = arith.select %or3A_1089, %slice3A_1061, %slice3A_1062 : vector<1x512xi1>, vector<1x512xf32>
      %select_n3A_1091 = arith.select %or3A_1089, %slice3A_1069, %slice3A_1070 : vector<1x512xi1>, vector<1x512xf32>
      %lt3A_1092 = arith.cmpf olt, %slice3A_1063, %slice3A_1064 : vector<1x512xf32>
      %eq3A_1093 = arith.cmpf oeq, %slice3A_1063, %slice3A_1064 : vector<1x512xf32>
      %lt3A_1094 = arith.cmpf olt, %slice3A_1071, %slice3A_1072 : vector<1x512xf32>
      %and3A_1095 = arith.andi %eq3A_1093, %lt3A_1094 : vector<1x512xi1>
      %or3A_1096 = arith.ori %lt3A_1092, %and3A_1095 : vector<1x512xi1>
      %select_n3A_1097 = arith.select %or3A_1096, %slice3A_1063, %slice3A_1064 : vector<1x512xi1>, vector<1x512xf32>
      %select_n3A_1098 = arith.select %or3A_1096, %slice3A_1071, %slice3A_1072 : vector<1x512xi1>, vector<1x512xf32>
      %lt3A_1099 = arith.cmpf olt, %select_n3A_1076, %select_n3A_1083 : vector<1x512xf32>
      %eq3A_1100 = arith.cmpf oeq, %select_n3A_1076, %select_n3A_1083 : vector<1x512xf32>
      %lt3A_1101 = arith.cmpf olt, %select_n3A_1077, %select_n3A_1084 : vector<1x512xf32>
      %and3A_1102 = arith.andi %eq3A_1100, %lt3A_1101 : vector<1x512xi1>
      %or3A_1103 = arith.ori %lt3A_1099, %and3A_1102 : vector<1x512xi1>
      %select_n3A_1104 = arith.select %or3A_1103, %select_n3A_1076, %select_n3A_1083 : vector<1x512xi1>, vector<1x512xf32>
      %select_n3A_1105 = arith.select %or3A_1103, %select_n3A_1077, %select_n3A_1084 : vector<1x512xi1>, vector<1x512xf32>
      %lt3A_1106 = arith.cmpf olt, %select_n3A_1090, %select_n3A_1097 : vector<1x512xf32>
      %eq3A_1107 = arith.cmpf oeq, %select_n3A_1090, %select_n3A_1097 : vector<1x512xf32>
      %lt3A_1108 = arith.cmpf olt, %select_n3A_1091, %select_n3A_1098 : vector<1x512xf32>
      %and3A_1109 = arith.andi %eq3A_1107, %lt3A_1108 : vector<1x512xi1>
      %or3A_1110 = arith.ori %lt3A_1106, %and3A_1109 : vector<1x512xi1>
      %select_n3A_1111 = arith.select %or3A_1110, %select_n3A_1090, %select_n3A_1097 : vector<1x512xi1>, vector<1x512xf32>
      %select_n3A_1112 = arith.select %or3A_1110, %select_n3A_1091, %select_n3A_1098 : vector<1x512xi1>, vector<1x512xf32>
      %lt3A_1113 = arith.cmpf olt, %select_n3A_1104, %select_n3A_1111 : vector<1x512xf32>
      %eq3A_1114 = arith.cmpf oeq, %select_n3A_1104, %select_n3A_1111 : vector<1x512xf32>
      %lt3A_1115 = arith.cmpf olt, %select_n3A_1105, %select_n3A_1112 : vector<1x512xf32>
      %and3A_1116 = arith.andi %eq3A_1114, %lt3A_1115 : vector<1x512xi1>
      %or3A_1117 = arith.ori %lt3A_1113, %and3A_1116 : vector<1x512xi1>
      %select_n3A_1118 = arith.select %or3A_1117, %select_n3A_1104, %select_n3A_1111 : vector<1x512xi1>, vector<1x512xf32>
      %select_n3A_1119 = arith.select %or3A_1117, %select_n3A_1105, %select_n3A_1112 : vector<1x512xi1>, vector<1x512xf32>
      %squeeze3A = vector.shape_cast %select_n3A_1119 : vector<1x512xf32> to vector<512xf32>
      %convert_element_type3A_1120 = arith.fptosi %squeeze3A : vector<512xf32> to vector<512xi32>
      %swap3A_1121 = arith.constant 0 : index
      %swap3A_1122 = vector.load %arg6[%swap3A_1121] : memref<512xi32, #tpu.memory_space<vmem>>, vector<512xi32>
      tpu.vector_store %arg6[%swap3A_1121], %convert_element_type3A_1120 {strides = array<i32>} : memref<512xi32, #tpu.memory_space<vmem>>, vector<512xi32>,
      %squeeze3A_1123 = vector.shape_cast %select_n3A_1118 : vector<1x512xf32> to vector<512xf32>
      %swap3A_1124 = arith.constant 0 : index
      %swap3A_1125 = vector.load %arg7[%swap3A_1124] : memref<512xf32, #tpu.memory_space<vmem>>, vector<512xf32>
      tpu.vector_store %arg7[%swap3A_1124], %squeeze3A_1123 {strides = array<i32>} : memref<512xf32, #tpu.memory_space<vmem>>, vector<512xf32>,
    } else {
    }
    return
  }
  func.func @transform_0(%arg0: i32, %arg1: i32) -> (i32, i32) {
    %c0_i32 = arith.constant 0 : i32
    %c0_i32_0 = arith.constant 0 : i32
    return %arg0, %c0_i32 : i32, i32
  }
  func.func @transform_1(%arg0: i32, %arg1: i32) -> (i32, i32) {
    %c0_i32 = arith.constant 0 : i32
    %c0_i32_0 = arith.constant 0 : i32
    %c0_i32_1 = arith.constant 0 : i32
    return %c0_i32, %c0_i32_0 : i32, i32
  }
  func.func @transform_2(%arg0: i32, %arg1: i32) -> (i32, i32) {
    %c0_i32 = arith.constant 0 : i32
    %c0_i32_0 = arith.constant 0 : i32
    return %c0_i32, %arg0 : i32, i32
  }
  func.func @transform_3(%arg0: i32, %arg1: i32) -> (i32, i32) {
    %c0_i32 = arith.constant 0 : i32
    %c0_i32_0 = arith.constant 0 : i32
    %c0_i32_1 = arith.constant 0 : i32
    return %c0_i32, %c0_i32_0 : i32, i32
  }
  func.func @transform_4(%arg0: i32, %arg1: i32) -> i32 {
    %c0_i32 = arith.constant 0 : i32
    return %arg0 : i32
  }
  func.func @transform_5(%arg0: i32, %arg1: i32) -> i32 {
    %c0_i32 = arith.constant 0 : i32
    return %arg0 : i32
  }
}

</mosaic_0001>

<sc_bundles>
// kernel: kernel.4.cloned.1.call-start
scs
__scs_entry_jumppad:
0x0: {  	(pc) =	sbr.rel $0x88, $3  }
0x1: {  	(tag) =	ssettag $0x0;
	lr =	simm.s32 $0x1  }
0x2: {  	[smem:$0x3F9F] =	sst lr;
	_ =	strace $0xD0000000  }
0x3: {  	_ = 	snop  }
0x4: {  	_ = 	snop  }
0x5: {  	_ = 	snop  }
0x6: {  	_ = 	snop  }
0x7: {  	_ = 	snop  }
__scs_overlays_trampoline_lowered:
0x8: {  	[smem:$0x3FAE] =	sst s0  }
0x9: {  	[smem:$0x3FAF] =	sst s1  }
0xa: {  	[smem:$0x3FB0] =	sst s2  }
0xb: {  	[smem:$0x3FB1] =	sst s3  }
0xc: {  	[smem:$0x3FB2] =	sst s4  }
0xd: {  	[smem:$0x3FB3] =	sst s5  }
0xe: {  	[smem:$0x3FB4] =	sst s6  }
0xf: {  	[smem:$0x3FB5] =	sst s7  }
0x10: {  	[smem:$0x3FB6] =	sst s8  }
0x11: {  	[smem:$0x3FB7] =	sst s9;
	s0 =	simm.s32 @!p0 $0x0  }
0x12: {  	s1 =	sld [smem:$0x3F9D];
	s0 =	simm.s32 @p0 $0x1  }
0x13: {  	[smem:$0x3FB8] =	sst s0;
	s0 =	simm.s32 @!p1 $0x0  }
0x14: {  	s2 =	sld [smem:$0x3F9C];
	s0 =	simm.s32 @p1 $0x1  }
0x15: {  	[smem:$0x3FB9] =	sst s0;
	s0 =	simm.s32 @!p2 $0x0  }
0x16: {  	s3 =	sld [smem:$0x3FDB];
	s0 =	simm.s32 @p2 $0x1  }
0x17: {  	s4 =	simm.s32 $0x1BF5;
	[smem:$0x3FBB] =	sst s0  }
0x18: {  	s0 =	sld [smem:$0x3F9E];
	_ =	swait.ge [sflag:s4], $0x0  }
0x19: {  	s7 =	sld [smem:$0x3F9F]  }
0x1a: {  	s8 =	sadd.s32 $0xFFFFE003, lr  }
0x1b: {  	s9 =	sadd.s32 $0xFFFFFEF7, lr;
	s5 =	simm.s32 $0xFFFFFFFF;
	p2 =	slt.u32 s8, $0xFFFFF086  }
0x1c: {  	p1 =	slt.u32 s9, $0xF7A;
	s5 =	simm.s32 @!p2 $0x0  }
0x1d: {  	s5 =	simm.s32 @p1 $0x1;
	p0 =	seq.s32 s7, s2  }
0x1e: {  	s7 =	smul.u32 @!p0 $0xF7A, s2;
	p2 =	seq.s32 @!p0 s5, $0x0  }
0x1f: {  	s9 =	smul.u32 $0xF7A, s1;
	s8 =	simm.s32 @!p0 $0x1BF5;
	p2 =	por !p2, p0  }
0x20: {  	[sflag:s8] =	ssyncset.s32 @!p0 $0xFFFFF086;
	s6 =	sadd.s32 @!p0 s3, s7;
	s7 =	simm.s32 @!p0 $0x108  }
0x21: {  	s3 =	sadd.s32 s3, s9;
	s6 =	sadd.s32 @!p0 $0x88, s6;
	s7 =	simm.s32 @p2 $0x1082  }
0x22: {  	[simem:s7], [sflag:s8] =	dma.local @!p0 [hbm:s6], $0xF7A  }
0x23: {  	s9 =	sor.u32 $0xD0000000, s2;
	s6 =	simm.s32 $0x108;
	_ =	swait.ge @!p0 [sflag:s8], $0x0  }
0x24: {  	s3 =	sadd.s32 $0x88, s3;
	s6 =	simm.s32 @!p1 $0x1082;
	[sflag:s4] =	ssyncset.s32 $0xFFFFF086  }
0x25: {  	[simem:s6], [sflag:s4] =	dma.local [hbm:s3], $0xF7A  }
0x26: {  	[smem:$0x3F9F] =	sst s1;
	(tag) =	ssettag s2;
	_ =	strace s9  }
0x27: {  	s1 =	sld [smem:$0x3FAF]  }
0x28: {  	s2 =	sld [smem:$0x3FB0]  }
0x29: {  	s4 =	sld [smem:$0x3FB2]  }
0x2a: {  	p0 =	seq.s32 s5, $0x0;
	s5 =	sld [smem:$0x3FB3]  }
0x2b: {  	s6 =	sld [smem:$0x3FB4]  }
0x2c: {  	s7 =	sld [smem:$0x3FB5]  }
0x2d: {  	s3 =	simm.s32 $0x108;
	s8 =	sld [smem:$0x3FB6]  }
0x2e: {  	s3 =	simm.s32 @!p0 $0x1082;
	s9 =	sld [smem:$0x3FB7]  }
0x2f: {  	lr =	sadd.s32 s0, s3;
	s0 =	sld [smem:$0x3FAE]  }
0x30: {  	s3 =	sld [smem:$0x3FB1]  }
0x31: {  	[smem:$0x3FBA] =	sst s10  }
0x32: {  	s10 =	sld [smem:$0x3FB8];
	_ =	sdelay $0x3  }
0x33: {  	p0 =	seq.s32 s10, $0x1;
	s10 =	sld [smem:$0x3FBA];
	_ =	sdelay $0x3  }
0x34: {  	[smem:$0x3FBA] =	sst s10  }
0x35: {  	s10 =	sld [smem:$0x3FB9];
	_ =	sdelay $0x3  }
0x36: {  	p1 =	seq.s32 s10, $0x1;
	s10 =	sld [smem:$0x3FBA];
	_ =	sdelay $0x3  }
0x37: {  	[smem:$0x3FBA] =	sst s10  }
0x38: {  	s10 =	sld [smem:$0x3FBB]  }
0x39: {  	_ = 	snop;
	(pc) =	sbr.ind lr, $3  }
0x3a: {  	_ = 	snop  }
0x3b: {  	_ = 	snop  }
0x3c: {  	p2 =	seq.s32 s10, $0x1;
	s10 =	sld [smem:$0x3FBA]  }
0x3d: {  	_ =	shalt  }
0x3e: {  	_ =	shalt  }
0x3f: {  	_ =	shalt  }
0x40: {  	_ =	shalt  }
0x41: {  	_ =	shalt  }
0x42: {  	_ =	shalt  }
0x43: {  	_ =	shalt  }
0x44: {  	_ =	shalt  }
0x45: {  	_ =	shalt  }
0x46: {  	_ =	shalt  }
0x47: {  	_ =	shalt  }
0x48: {  	_ =	shalt  }
0x49: {  	_ =	shalt  }
0x4a: {  	_ =	shalt  }
0x4b: {  	_ =	shalt  }
0x4c: {  	_ =	shalt  }
0x4d: {  	_ =	shalt  }
0x4e: {  	_ =	shalt  }
0x4f: {  	_ =	shalt  }
0x50: {  	_ =	shalt  }
0x51: {  	_ =	shalt  }
0x52: {  	_ =	shalt  }
0x53: {  	_ =	shalt  }
0x54: {  	_ =	shalt  }
0x55: {  	_ =	shalt  }
0x56: {  	_ =	shalt  }
0x57: {  	_ =	shalt  }
0x58: {  	_ =	shalt  }
0x59: {  	_ =	shalt  }
0x5a: {  	_ =	shalt  }
0x5b: {  	_ =	shalt  }
0x5c: {  	_ =	shalt  }
0x5d: {  	_ =	shalt  }
0x5e: {  	_ =	shalt  }
0x5f: {  	_ =	shalt  }
0x60: {  	_ =	shalt  }
0x61: {  	_ =	shalt  }
0x62: {  	_ =	shalt  }
0x63: {  	_ =	shalt  }
0x64: {  	_ =	shalt  }
0x65: {  	_ =	shalt  }
0x66: {  	_ =	shalt  }
0x67: {  	_ =	shalt  }
0x68: {  	_ =	shalt  }
0x69: {  	_ =	shalt  }
0x6a: {  	_ =	shalt  }
0x6b: {  	_ =	shalt  }
0x6c: {  	_ =	shalt  }
0x6d: {  	_ =	shalt  }
0x6e: {  	_ =	shalt  }
0x6f: {  	_ =	shalt  }
0x70: {  	_ =	shalt  }
0x71: {  	_ =	shalt  }
0x72: {  	_ =	shalt  }
0x73: {  	_ =	shalt  }
0x74: {  	_ =	shalt  }
0x75: {  	_ =	shalt  }
0x76: {  	_ =	shalt  }
0x77: {  	_ =	shalt  }
0x78: {  	_ =	shalt  }
0x79: {  	_ =	shalt  }
0x7a: {  	_ =	shalt  }
0x7b: {  	_ =	shalt  }
0x7c: {  	_ =	shalt  }
0x7d: {  	_ =	shalt  }
0x7e: {  	_ =	shalt  }
0x7f: {  	_ =	shalt  }
0x80: {  	_ =	shalt  }
0x81: {  	_ =	shalt  }
0x82: {  	_ =	shalt  }
0x83: {  	_ =	shalt  }
0x84: {  	_ =	shalt  }
0x85: {  	_ =	shalt  }
0x86: {  	_ =	shalt  }
0x87: {  	_ =	shalt  }
.Lfunc_end0:
.L_simem_size_0:
called_computation_lowered:
.L_overlay_start_0:
0x88: {  	s2 =	sld [smem:$0x3FD9]  }
0x89: {  	s3 =	sld [smem:$0x3FFE];
	_ =	sdelay $0x1  }
0x8a: {  	s1 =	srdreg.scid  }
0x8b: {  	s0 =	sand.u32 $0x1, s1  }
0x8c: {  	s14 =	sshll.u32 s0, $0xA;
	s2 =	sadd.s32 s3, s2  }
0x8d: {  	s2 =	sadd.s32 s2, s14  }
0x8e: {  	[smem:$0x3FC6] =	sst s2  }
0x8f: {  	_ = 	snop  }
0x90: {  	s2 =	sld [smem:$0x3FD0];
	_ =	sdelay $0x2  }
0x91: {  	s4 =	simm.s32 $0xA;
	s5 =	simm.s32 $0x10;
	s15 =	sld [smem:$0x3FC8]  }
0x92: {  	[smem:s5], [sflag:s4] =	dma.local [hbm:s2], $0x1  }
0x93: {  	_ =	swait.eq [sflag:s4], $0x1  }
0x94: {  	[sflag:s4] =	ssyncset.done $0x0  }
0x95: {  	[sflag:s4] =	ssyncadd.s32 $0xFFFFFFFF  }
0x96: {  	s16 =	sld [smem:$0x10];
	(tm) =	ssettm $0x1  }
0x97: {  	s17 =	sld [smem:$0x3FFB];
	_ =	sdelay $0x3  }
0x98: {  	_ =	strace s17  }
0x99: {  	s4 =	sld [smem:$0x3FFC];
	_ =	sdelay $0x3  }
0x9a: {  	_ =	strace s4  }
0x9b: {  	s4 =	sld [smem:$0x3FFD];
	_ =	sdelay $0x3  }
0x9c: {  	_ =	strace s4  }
0x9d: {  	_ =	strace $0x8FFFFFFF  }
0x9e: {  	s18 =	sld [smem:$0x3FDB];
	_ =	sdelay $0x1  }
0x9f: {  	s19 =	simm.s32 $_scs_section_size  }
0xa0: {  	s6 =	simm.s32 $_size__tile_overlayer_lowered;
	s7 =	simm.s32 $_tile_overlayer_lowered  }
0xa1: {  	s22 =	simm.s32 $0x1BFF;
	s21 =	sshll.u32 s7, $0x1;
	s4 =	sadd.s32 s19, s18  }
0xa2: {  	s8 =	simm.s32 $0x0;
	s20 =	sshll.u32 s6, $0x1;
	s6 =	sadd.s32 s21, s4  }
0xa3: {  	[timem:s8], [sflag:s22] =	dma.local [hbm:s6], s20  }
0xa4: {  	_ =	swait.ge [sflag:s22], s20  }
0xa5: {  	s5 =	ssub.s32 $0x0, s20;
	[sflag:s22] =	ssyncset.done $0x0  }
0xa6: {  	[sflag:s22] =	ssyncadd.s32 s5;
	_ =	sdelay $0x1  }
0xa7: {  	s23 =	simm.s32 $0x1B8B  }
0xa8: {  	_ =	swait.ge [sflag:s23], $0x1  }
0xa9: {  	[sflag:s23] =	ssyncset.done $0x0  }
0xaa: {  	s25 =	simm.s32 $0x1B8E;
	s24 =	sld [smem:$0x3FFE];
	[sflag:s23] =	ssyncadd.s32 $0xFFFFFFFF  }
0xab: {  	s26 =	simm.s32 $execute0_lowered;
	[smem:$0x3FD2] =	sst s25  }
0xac: {  	s6 =	sshll.u32 s26, $0x1;
	_ =	strace $0x80000046;
	[dreg:$0x1] =	wrdreg $0xFFFFFFFF  }
0xad: {  	s28 =	simm.s32 $_size_execute0_lowered;
	s4 =	sadd.s32 s4, s6;
	[dreg:$0x0] =	wrdreg $0x0  }
0xae: {  	s6 =	sshll.u32 s28, $0x1;
	[dreg:$0x2] =	wrdreg s4  }
0xaf: {  	[dreg:$0x3] =	wrdreg s6  }
0xb0: {  	[dreg:$0x4] =	wrdreg $0xC0  }
0xb1: {  	_ =	task [dreg:s8], $0x5FFFF  }
0xb2: {  	[dreg:$0x1] =	wrdreg $0xFFFFFFFF  }
0xb3: {  	[dreg:$0x0] =	wrdreg $0x60  }
0xb4: {  	[dreg:$0x2] =	wrdreg s15  }
0xb5: {  	[dreg:$0x3] =	wrdreg s24  }
0xb6: {  	[dreg:$0x4] =	wrdreg s16  }
0xb7: {  	[dreg:$0x5] =	wrdreg $0x9  }
0xb8: {  	_ =	task.clear_ibuf [dreg:s8], $0x6FFFF;
	_ =	strace $0x90000046  }
0xb9: {  	s29 =	simm.s32 $0x9;
	_ =	strace $0x80000048  }
0xba: {  	_ =	swait.ge [sflag:s29], $0x1  }
0xbb: {  	[sflag:s29] =	ssyncadd.s32 $0xFFFFFFFF  }
0xbc: {  	_ =	strace $0x90000048  }
0xbd: {  	_ =	sfence  }
0xbe: {  	s30 =	sld [smem:$0x0];
	_ =	sdelay $0x2  }
0xbf: {  	s31 =	sshll.u32 s1, $0xD;
	s1 =	sshrl.u32 s1, $0x2  }
0xc0: {  	s3 =	sand.u32 $0x4000, s31;
	s1 =	sadd.s32 s1, s30  }
0xc1: {  	s0 =	sor.u32 s3, s0;
	s1 =	sshll.u32 s1, $0x11  }
0xc2: {  	s0 =	sor.u32 s1, s0  }
0xc3: {  	s0 =	sadd.s32 $0x8F2B, s0  }
0xc4: {  	[sflag:s0] =	ssyncadd.remote.s32 $0x1  }
0xc5: {  	_ =	sfence.sel $0xFFFF  }
0xc6: {  	[dreg:$0x0] =	wrdreg $0xFFFFFFFF;
	(pc) =	sbr.abs _section_cstart, $3  }
0xc7: {  	[dreg:$0x1] =	wrdreg $0xFFFFFFFF  }
0xc8: {  	_ =	task.clear_ibuf [dreg:s8], $0x2FFFF;
	_ =	strace $0x9FFFFFFF  }
0xc9: {  	(tm) =	ssettm $0x7FFFFFFF  }
tec
execute0_lowered:
.L_overlay_start_1:
0x0: {  	(tag) =	ssettag $0x1  }
0x1: {  	s1 =	rddreg [dreg:$0x0]  }
0x2: {  	s10 =	rddreg [dreg:$0x1]  }
0x3: {  	s11 =	rddreg [dreg:$0x2]  }
0x4: {  	s0 =	rddreg [dreg:$0x3];
	s3 =	simm.s32 $0x0;
	s4 =	srdreg.scid  }
0x5: {  	s2 =	stileid.u32;
	s15 =	simm.s32 $0x880;
	s16 =	simm.s32 $0x1080  }
0x6: {  	s17 =	simm.s32 $0x1880;
	s18 =	simm.s32 $0x2080;
	s19 =	simm.s32 $0x2880  }
0x7: {  	s20 =	simm.s32 $0x3080;
	s21 =	simm.s32 $0x3880;
	s22 =	simm.s32 $0x4080  }
0x8: {  	s28 =	simm.s32 $0x6880;
	s29 =	simm.s32 $0x7080;
	s30 =	simm.s32 $0x7880  }
0x9: {  	s31 =	simm.s32 $0x1;
	[smem:$0x7FF] =	sst s3;
	s4 =	sand.u32 $0x1, s4  }
0xa: {  	s6 =	sshll.u32 s2, $0xA;
	s5 =	ssub.s32 $0x2, s4;
	s4 =	sshll.u32 s4, $0x9  }
0xb: {  	_ =	strace $0x80000047;
	s7 =	sshrl.u32 s5, $0x1;
	s9 =	sor.u32 s4, s6  }
0xc: {  	s12 =	ssub.s32 s5, s7;
	s4 =	sshrl.u32 s9, $0x3;
	s23 =	sshll.u32 s9, $0x5  }
0xd: {  	s6 =	sor.u32 $0x80, s9;
	s13 =	sor.u32 $0x100, s9;
	s14 =	sor.u32 $0x180, s9  }
0xe: {  	s4 =	sadd.s32 s10, s4;
	s5 =	sadd.s32 s11, s23;
	s24 =	sshrl.u32 s6, $0x3  }
0xf: {  	s8 =	sshll.u32 s6, $0x5;
	s25 =	sshrl.u32 s13, $0x3;
	s13 =	sshll.u32 s13, $0x5  }
0x10: {  	s26 =	sshrl.u32 s14, $0x3;
	s14 =	sshll.u32 s14, $0x5;
	s12 =	smax.u32 s12, $0x1  }
0x11: {  	s23 =	simm.s32 $0x4880;
	s6 =	sadd.s32 s10, s24;
	s7 =	sadd.s32 s11, s8  }
0x12: {  	v2 =	vlaneseq.u32;
	s8 =	sadd.s32 s10, s25;
	s9 =	sadd.s32 s11, s13;
	s10 =	sadd.s32 s10, s26  }
0x13: {  	vm0 =	vmmov $0xffff;
	v1 =	vshrl.u32 v2, $0x3;
	s11 =	sadd.s32 s11, s14;
	s13 =	simm.s32 $0x2;
	s14 =	simm.s32 $0x80  }
0x14: {  	v0 =	vand.u32 $0x7, v2;
	v2 =	vor.u32 $0x8, v2;
	v1 =	vmul.u32 $0x8, v1;
	s24 =	simm.s32 $0x5080;
	s25 =	simm.s32 $0x5880;
	s26 =	simm.s32 $0x6080  }
.LBB2_1:
0x15: {  	[tilespmem:s3], [sflag:$0x2] =	stream.linear.gather [hbm4b:s4+s3], $0x80, $0x38;
	[tilespmem:$0x8080] =	vst v63  }
0x16: {  	_ =	swait.ge [sflag:s13], $0x80  }
0x17: {  	[sflag:s13] =	ssyncset.done $0x0  }
0x18: {  	[sflag:s13] =	ssyncadd.s32 $0xFFFFFF80  }
0x19: {  	v3 =	vld [tilespmem:$0x0];
	_ =	sdelay $0x4  }
0x1a: {  	v4 =	vshll.u32 v3, $0x1  }
0x1b: {  	v3 =	vand.u32 $0x7, v3;
	v4 =	vand.u32 $0xFFFFFFF0, v4  }
0x1c: {  	v3 =	vor.u32 v3, v4  }
0x1d: {  	v4 =	vperm.xlane v3, v0;
	_ =	sdelay $0x1  }
0x1e: {  	v3 =	vperm.xlane v3, v2;
	v4 =	vadd.s32 v1, v4;
	_ =	sdelay $0x1  }
0x1f: {  	v3 =	vadd.s32 v1, v3;
	_ =	sdelay $0x2  }
0x20: {  	[tilespmem:s14], [sflag:$0x1] =	stream.indirect_vreg.gather [hbm4b:s1+s3], $0x80, v4, vm0, $0xb8;
	[tilespmem:$0x8080] =	vst v63  }
0x21: {  	_ = 	snop  }
0x22: {  	[tilespmem:s15], [sflag:$0x1] =	stream.indirect_vreg.gather [hbm4b:s1+s3], $0x80, v3, vm0, $0xb8;
	[tilespmem:$0x8080] =	vst v63  }
0x23: {  	v3 =	vld [tilespmem:$0x10];
	_ =	sdelay $0x4  }
0x24: {  	v33 =	vshll.u32 v3, $0x1  }
0x25: {  	v3 =	vand.u32 $0x7, v3;
	v4 =	vand.u32 $0xFFFFFFF0, v33  }
0x26: {  	v3 =	vor.u32 v3, v4  }
0x27: {  	v4 =	vperm.xlane v3, v0;
	_ =	sdelay $0x1  }
0x28: {  	v3 =	vperm.xlane v3, v2;
	v4 =	vadd.s32 v1, v4;
	_ =	sdelay $0x1  }
0x29: {  	v3 =	vadd.s32 v1, v3;
	_ =	sdelay $0x2  }
0x2a: {  	[tilespmem:s16], [sflag:$0x1] =	stream.indirect_vreg.gather [hbm4b:s1+s3], $0x80, v4, vm0, $0xb8;
	[tilespmem:$0x8080] =	vst v63  }
0x2b: {  	_ = 	snop  }
0x2c: {  	[tilespmem:s17], [sflag:$0x1] =	stream.indirect_vreg.gather [hbm4b:s1+s3], $0x80, v3, vm0, $0xb8;
	[tilespmem:$0x8080] =	vst v63  }
0x2d: {  	v3 =	vld [tilespmem:$0x20];
	_ =	sdelay $0x4  }
0x2e: {  	v34 =	vshll.u32 v3, $0x1  }
0x2f: {  	v3 =	vand.u32 $0x7, v3;
	v4 =	vand.u32 $0xFFFFFFF0, v34  }
0x30: {  	v3 =	vor.u32 v3, v4  }
0x31: {  	v4 =	vperm.xlane v3, v0;
	_ =	sdelay $0x1  }
0x32: {  	v3 =	vperm.xlane v3, v2;
	v4 =	vadd.s32 v1, v4;
	_ =	sdelay $0x1  }
0x33: {  	v3 =	vadd.s32 v1, v3;
	_ =	sdelay $0x2  }
0x34: {  	[tilespmem:s18], [sflag:$0x1] =	stream.indirect_vreg.gather [hbm4b:s1+s3], $0x80, v4, vm0, $0xb8;
	[tilespmem:$0x8080] =	vst v63  }
0x35: {  	_ = 	snop  }
0x36: {  	[tilespmem:s19], [sflag:$0x1] =	stream.indirect_vreg.gather [hbm4b:s1+s3], $0x80, v3, vm0, $0xb8;
	[tilespmem:$0x8080] =	vst v63  }
0x37: {  	v3 =	vld [tilespmem:$0x30];
	_ =	sdelay $0x4  }
0x38: {  	v35 =	vshll.u32 v3, $0x1  }
0x39: {  	v3 =	vand.u32 $0x7, v3;
	v4 =	vand.u32 $0xFFFFFFF0, v35  }
0x3a: {  	v3 =	vor.u32 v3, v4  }
0x3b: {  	v4 =	vperm.xlane v3, v0;
	_ =	sdelay $0x1  }
0x3c: {  	v3 =	vperm.xlane v3, v2;
	v4 =	vadd.s32 v1, v4;
	_ =	sdelay $0x1  }
0x3d: {  	v3 =	vadd.s32 v1, v3;
	_ =	sdelay $0x2  }
0x3e: {  	[tilespmem:s20], [sflag:$0x1] =	stream.indirect_vreg.gather [hbm4b:s1+s3], $0x80, v4, vm0, $0xb8;
	[tilespmem:$0x8080] =	vst v63  }
0x3f: {  	_ = 	snop  }
0x40: {  	[tilespmem:s21], [sflag:$0x1] =	stream.indirect_vreg.gather [hbm4b:s1+s3], $0x80, v3, vm0, $0xb8;
	[tilespmem:$0x8080] =	vst v63  }
0x41: {  	v3 =	vld [tilespmem:$0x40];
	_ =	sdelay $0x4  }
0x42: {  	v36 =	vshll.u32 v3, $0x1  }
0x43: {  	v3 =	vand.u32 $0x7, v3;
	v4 =	vand.u32 $0xFFFFFFF0, v36  }
0x44: {  	v3 =	vor.u32 v3, v4  }
0x45: {  	v4 =	vperm.xlane v3, v0;
	_ =	sdelay $0x1  }
0x46: {  	v3 =	vperm.xlane v3, v2;
	v4 =	vadd.s32 v1, v4;
	_ =	sdelay $0x1  }
0x47: {  	v3 =	vadd.s32 v1, v3;
	_ =	sdelay $0x2  }
0x48: {  	[tilespmem:s22], [sflag:$0x1] =	stream.indirect_vreg.gather [hbm4b:s1+s3], $0x80, v4, vm0, $0xb8;
	[tilespmem:$0x8080] =	vst v63  }
0x49: {  	_ = 	snop  }
0x4a: {  	[tilespmem:s23], [sflag:$0x1] =	stream.indirect_vreg.gather [hbm4b:s1+s3], $0x80, v3, vm0, $0xb8;
	[tilespmem:$0x8080] =	vst v63  }
0x4b: {  	v3 =	vld [tilespmem:$0x50];
	_ =	sdelay $0x4  }
0x4c: {  	v37 =	vshll.u32 v3, $0x1  }
0x4d: {  	v3 =	vand.u32 $0x7, v3;
	v4 =	vand.u32 $0xFFFFFFF0, v37  }
0x4e: {  	v3 =	vor.u32 v3, v4  }
0x4f: {  	v4 =	vperm.xlane v3, v0;
	_ =	sdelay $0x1  }
0x50: {  	v3 =	vperm.xlane v3, v2;
	v4 =	vadd.s32 v1, v4;
	_ =	sdelay $0x1  }
0x51: {  	v3 =	vadd.s32 v1, v3;
	_ =	sdelay $0x2  }
0x52: {  	[tilespmem:s24], [sflag:$0x1] =	stream.indirect_vreg.gather [hbm4b:s1+s3], $0x80, v4, vm0, $0xb8;
	[tilespmem:$0x8080] =	vst v63  }
0x53: {  	_ = 	snop  }
0x54: {  	[tilespmem:s25], [sflag:$0x1] =	stream.indirect_vreg.gather [hbm4b:s1+s3], $0x80, v3, vm0, $0xb8;
	[tilespmem:$0x8080] =	vst v63  }
0x55: {  	v3 =	vld [tilespmem:$0x60];
	_ =	sdelay $0x4  }
0x56: {  	v38 =	vshll.u32 v3, $0x1  }
0x57: {  	v3 =	vand.u32 $0x7, v3;
	v4 =	vand.u32 $0xFFFFFFF0, v38  }
0x58: {  	v3 =	vor.u32 v3, v4  }
0x59: {  	v4 =	vperm.xlane v3, v0;
	_ =	sdelay $0x1  }
0x5a: {  	v3 =	vperm.xlane v3, v2;
	v4 =	vadd.s32 v1, v4;
	_ =	sdelay $0x1  }
0x5b: {  	v3 =	vadd.s32 v1, v3;
	_ =	sdelay $0x2  }
0x5c: {  	[tilespmem:s26], [sflag:$0x1] =	stream.indirect_vreg.gather [hbm4b:s1+s3], $0x80, v4, vm0, $0xb8;
	[tilespmem:$0x8080] =	vst v63  }
0x5d: {  	_ = 	snop  }
0x5e: {  	[tilespmem:s28], [sflag:$0x1] =	stream.indirect_vreg.gather [hbm4b:s1+s3], $0x80, v3, vm0, $0xb8;
	[tilespmem:$0x8080] =	vst v63  }
0x5f: {  	v3 =	vld [tilespmem:$0x70];
	_ =	sdelay $0x4  }
0x60: {  	v39 =	vshll.u32 v3, $0x1  }
0x61: {  	v3 =	vand.u32 $0x7, v3;
	v4 =	vand.u32 $0xFFFFFFF0, v39  }
0x62: {  	v3 =	vor.u32 v3, v4  }
0x63: {  	v4 =	vperm.xlane v3, v0;
	_ =	sdelay $0x1  }
0x64: {  	v3 =	vperm.xlane v3, v2;
	v4 =	vadd.s32 v1, v4;
	_ =	sdelay $0x1  }
0x65: {  	v3 =	vadd.s32 v1, v3;
	_ =	sdelay $0x2  }
0x66: {  	[tilespmem:s29], [sflag:$0x1] =	stream.indirect_vreg.gather [hbm4b:s1+s3], $0x80, v4, vm0, $0xb8;
	[tilespmem:$0x8080] =	vst v63  }
0x67: {  	_ = 	snop  }
0x68: {  	[tilespmem:s30], [sflag:$0x1] =	stream.indirect_vreg.gather [hbm4b:s1+s3], $0x80, v3, vm0, $0xb8;
	[tilespmem:$0x8080] =	vst v63  }
0x69: {  	_ =	swait.ge [sflag:s31], $0x8000  }
0x6a: {  	[sflag:s31] =	ssyncset.done $0x0  }
0x6b: {  	[sflag:s31] =	ssyncadd.s32 $0xFFFF8000  }
0x6c: {  	[hbm4b:s5+s3] =	stream.linear.scatter [tilespmem:s14], [sflag:$0x2], $0x8000, $0x38;
	[tilespmem:$0x8080] =	vst v63  }
0x6d: {  	_ =	swait.ge [sflag:s13], $0x8000  }
0x6e: {  	[sflag:s13] =	ssyncset.done $0x0  }
0x6f: {  	[sflag:s13] =	ssyncadd.s32 $0xFFFF8000  }
0x70: {  	[tilespmem:s3], [sflag:$0x2] =	stream.linear.gather [hbm4b:s6+s3], $0x80, $0x38;
	[tilespmem:$0x8080] =	vst v63  }
0x71: {  	_ =	swait.ge [sflag:s13], $0x80  }
0x72: {  	[sflag:s13] =	ssyncset.done $0x0  }
0x73: {  	[sflag:s13] =	ssyncadd.s32 $0xFFFFFF80  }
0x74: {  	v3 =	vld [tilespmem:$0x0];
	_ =	sdelay $0x4  }
0x75: {  	v40 =	vshll.u32 v3, $0x1  }
0x76: {  	v3 =	vand.u32 $0x7, v3;
	v4 =	vand.u32 $0xFFFFFFF0, v40  }
0x77: {  	v3 =	vor.u32 v3, v4  }
0x78: {  	v4 =	vperm.xlane v3, v0;
	_ =	sdelay $0x1  }
0x79: {  	v3 =	vperm.xlane v3, v2;
	v4 =	vadd.s32 v1, v4;
	_ =	sdelay $0x1  }
0x7a: {  	v3 =	vadd.s32 v1, v3;
	_ =	sdelay $0x2  }
0x7b: {  	[tilespmem:s14], [sflag:$0x1] =	stream.indirect_vreg.gather [hbm4b:s1+s3], $0x80, v4, vm0, $0xb8;
	[tilespmem:$0x8080] =	vst v63  }
0x7c: {  	_ = 	snop  }
0x7d: {  	[tilespmem:s15], [sflag:$0x1] =	stream.indirect_vreg.gather [hbm4b:s1+s3], $0x80, v3, vm0, $0xb8;
	[tilespmem:$0x8080] =	vst v63  }
0x7e: {  	v3 =	vld [tilespmem:$0x10];
	_ =	sdelay $0x4  }
0x7f: {  	v41 =	vshll.u32 v3, $0x1  }
0x80: {  	v3 =	vand.u32 $0x7, v3;
	v4 =	vand.u32 $0xFFFFFFF0, v41  }
0x81: {  	v3 =	vor.u32 v3, v4  }
0x82: {  	v4 =	vperm.xlane v3, v0;
	_ =	sdelay $0x1  }
0x83: {  	v3 =	vperm.xlane v3, v2;
	v4 =	vadd.s32 v1, v4;
	_ =	sdelay $0x1  }
0x84: {  	v3 =	vadd.s32 v1, v3;
	_ =	sdelay $0x2  }
0x85: {  	[tilespmem:s16], [sflag:$0x1] =	stream.indirect_vreg.gather [hbm4b:s1+s3], $0x80, v4, vm0, $0xb8;
	[tilespmem:$0x8080] =	vst v63  }
0x86: {  	_ = 	snop  }
0x87: {  	[tilespmem:s17], [sflag:$0x1] =	stream.indirect_vreg.gather [hbm4b:s1+s3], $0x80, v3, vm0, $0xb8;
	[tilespmem:$0x8080] =	vst v63  }
0x88: {  	v3 =	vld [tilespmem:$0x20];
	_ =	sdelay $0x4  }
0x89: {  	v42 =	vshll.u32 v3, $0x1  }
0x8a: {  	v3 =	vand.u32 $0x7, v3;
	v4 =	vand.u32 $0xFFFFFFF0, v42  }
0x8b: {  	v3 =	vor.u32 v3, v4  }
0x8c: {  	v4 =	vperm.xlane v3, v0;
	_ =	sdelay $0x1  }
0x8d: {  	v3 =	vperm.xlane v3, v2;
	v4 =	vadd.s32 v1, v4;
	_ =	sdelay $0x1  }
0x8e: {  	v3 =	vadd.s32 v1, v3;
	_ =	sdelay $0x2  }
0x8f: {  	[tilespmem:s18], [sflag:$0x1] =	stream.indirect_vreg.gather [hbm4b:s1+s3], $0x80, v4, vm0, $0xb8;
	[tilespmem:$0x8080] =	vst v63  }
0x90: {  	_ = 	snop  }
0x91: {  	[tilespmem:s19], [sflag:$0x1] =	stream.indirect_vreg.gather [hbm4b:s1+s3], $0x80, v3, vm0, $0xb8;
	[tilespmem:$0x8080] =	vst v63  }
0x92: {  	v3 =	vld [tilespmem:$0x30];
	_ =	sdelay $0x4  }
0x93: {  	v43 =	vshll.u32 v3, $0x1  }
0x94: {  	v3 =	vand.u32 $0x7, v3;
	v4 =	vand.u32 $0xFFFFFFF0, v43  }
0x95: {  	v3 =	vor.u32 v3, v4  }
0x96: {  	v4 =	vperm.xlane v3, v0;
	_ =	sdelay $0x1  }
0x97: {  	v3 =	vperm.xlane v3, v2;
	v4 =	vadd.s32 v1, v4;
	_ =	sdelay $0x1  }
0x98: {  	v3 =	vadd.s32 v1, v3;
	_ =	sdelay $0x2  }
0x99: {  	[tilespmem:s20], [sflag:$0x1] =	stream.indirect_vreg.gather [hbm4b:s1+s3], $0x80, v4, vm0, $0xb8;
	[tilespmem:$0x8080] =	vst v63  }
0x9a: {  	_ = 	snop  }
0x9b: {  	[tilespmem:s21], [sflag:$0x1] =	stream.indirect_vreg.gather [hbm4b:s1+s3], $0x80, v3, vm0, $0xb8;
	[tilespmem:$0x8080] =	vst v63  }
0x9c: {  	v3 =	vld [tilespmem:$0x40];
	_ =	sdelay $0x4  }
0x9d: {  	v44 =	vshll.u32 v3, $0x1  }
0x9e: {  	v3 =	vand.u32 $0x7, v3;
	v4 =	vand.u32 $0xFFFFFFF0, v44  }
0x9f: {  	v3 =	vor.u32 v3, v4  }
0xa0: {  	v4 =	vperm.xlane v3, v0;
	_ =	sdelay $0x1  }
0xa1: {  	v3 =	vperm.xlane v3, v2;
	v4 =	vadd.s32 v1, v4;
	_ =	sdelay $0x1  }
0xa2: {  	v3 =	vadd.s32 v1, v3;
	_ =	sdelay $0x2  }
0xa3: {  	[tilespmem:s22], [sflag:$0x1] =	stream.indirect_vreg.gather [hbm4b:s1+s3], $0x80, v4, vm0, $0xb8;
	[tilespmem:$0x8080] =	vst v63  }
0xa4: {  	_ = 	snop  }
0xa5: {  	[tilespmem:s23], [sflag:$0x1] =	stream.indirect_vreg.gather [hbm4b:s1+s3], $0x80, v3, vm0, $0xb8;
	[tilespmem:$0x8080] =	vst v63  }
0xa6: {  	v3 =	vld [tilespmem:$0x50];
	_ =	sdelay $0x4  }
0xa7: {  	v45 =	vshll.u32 v3, $0x1  }
0xa8: {  	v3 =	vand.u32 $0x7, v3;
	v4 =	vand.u32 $0xFFFFFFF0, v45  }
0xa9: {  	v3 =	vor.u32 v3, v4  }
0xaa: {  	v4 =	vperm.xlane v3, v0;
	_ =	sdelay $0x1  }
0xab: {  	v3 =	vperm.xlane v3, v2;
	v4 =	vadd.s32 v1, v4;
	_ =	sdelay $0x1  }
0xac: {  	v3 =	vadd.s32 v1, v3;
	_ =	sdelay $0x2  }
0xad: {  	[tilespmem:s24], [sflag:$0x1] =	stream.indirect_vreg.gather [hbm4b:s1+s3], $0x80, v4, vm0, $0xb8;
	[tilespmem:$0x8080] =	vst v63  }
0xae: {  	_ = 	snop  }
0xaf: {  	[tilespmem:s25], [sflag:$0x1] =	stream.indirect_vreg.gather [hbm4b:s1+s3], $0x80, v3, vm0, $0xb8;
	[tilespmem:$0x8080] =	vst v63  }
0xb0: {  	v3 =	vld [tilespmem:$0x60];
	_ =	sdelay $0x4  }
0xb1: {  	v46 =	vshll.u32 v3, $0x1  }
0xb2: {  	v3 =	vand.u32 $0x7, v3;
	v4 =	vand.u32 $0xFFFFFFF0, v46  }
0xb3: {  	v3 =	vor.u32 v3, v4  }
0xb4: {  	v4 =	vperm.xlane v3, v0;
	_ =	sdelay $0x1  }
0xb5: {  	v3 =	vperm.xlane v3, v2;
	v4 =	vadd.s32 v1, v4;
	_ =	sdelay $0x1  }
0xb6: {  	v3 =	vadd.s32 v1, v3;
	_ =	sdelay $0x2  }
0xb7: {  	[tilespmem:s26], [sflag:$0x1] =	stream.indirect_vreg.gather [hbm4b:s1+s3], $0x80, v4, vm0, $0xb8;
	[tilespmem:$0x8080] =	vst v63  }
0xb8: {  	_ = 	snop  }
0xb9: {  	[tilespmem:s28], [sflag:$0x1] =	stream.indirect_vreg.gather [hbm4b:s1+s3], $0x80, v3, vm0, $0xb8;
	[tilespmem:$0x8080] =	vst v63  }
0xba: {  	v3 =	vld [tilespmem:$0x70];
	_ =	sdelay $0x4  }
0xbb: {  	v47 =	vshll.u32 v3, $0x1  }
0xbc: {  	v3 =	vand.u32 $0x7, v3;
	v4 =	vand.u32 $0xFFFFFFF0, v47  }
0xbd: {  	v3 =	vor.u32 v3, v4  }
0xbe: {  	v4 =	vperm.xlane v3, v0;
	_ =	sdelay $0x1  }
0xbf: {  	v3 =	vperm.xlane v3, v2;
	v4 =	vadd.s32 v1, v4;
	_ =	sdelay $0x1  }
0xc0: {  	v3 =	vadd.s32 v1, v3;
	_ =	sdelay $0x2  }
0xc1: {  	[tilespmem:s29], [sflag:$0x1] =	stream.indirect_vreg.gather [hbm4b:s1+s3], $0x80, v4, vm0, $0xb8;
	[tilespmem:$0x8080] =	vst v63  }
0xc2: {  	_ = 	snop  }
0xc3: {  	[tilespmem:s30], [sflag:$0x1] =	stream.indirect_vreg.gather [hbm4b:s1+s3], $0x80, v3, vm0, $0xb8;
	[tilespmem:$0x8080] =	vst v63  }
0xc4: {  	_ =	swait.ge [sflag:s31], $0x8000  }
0xc5: {  	[sflag:s31] =	ssyncset.done $0x0  }
0xc6: {  	[sflag:s31] =	ssyncadd.s32 $0xFFFF8000  }
0xc7: {  	[hbm4b:s7+s3] =	stream.linear.scatter [tilespmem:s14], [sflag:$0x2], $0x8000, $0x38;
	[tilespmem:$0x8080] =	vst v63  }
0xc8: {  	_ =	swait.ge [sflag:s13], $0x8000  }
0xc9: {  	[sflag:s13] =	ssyncset.done $0x0  }
0xca: {  	[sflag:s13] =	ssyncadd.s32 $0xFFFF8000  }
0xcb: {  	[tilespmem:s3], [sflag:$0x2] =	stream.linear.gather [hbm4b:s8+s3], $0x80, $0x38;
	[tilespmem:$0x8080] =	vst v63  }
0xcc: {  	_ =	swait.ge [sflag:s13], $0x80  }
0xcd: {  	[sflag:s13] =	ssyncset.done $0x0  }
0xce: {  	[sflag:s13] =	ssyncadd.s32 $0xFFFFFF80  }
0xcf: {  	v3 =	vld [tilespmem:$0x0];
	_ =	sdelay $0x4  }
0xd0: {  	v48 =	vshll.u32 v3, $0x1  }
0xd1: {  	v3 =	vand.u32 $0x7, v3;
	v4 =	vand.u32 $0xFFFFFFF0, v48  }
0xd2: {  	v3 =	vor.u32 v3, v4  }
0xd3: {  	v4 =	vperm.xlane v3, v0;
	_ =	sdelay $0x1  }
0xd4: {  	v3 =	vperm.xlane v3, v2;
	v4 =	vadd.s32 v1, v4;
	_ =	sdelay $0x1  }
0xd5: {  	v3 =	vadd.s32 v1, v3;
	_ =	sdelay $0x2  }
0xd6: {  	[tilespmem:s14], [sflag:$0x1] =	stream.indirect_vreg.gather [hbm4b:s1+s3], $0x80, v4, vm0, $0xb8;
	[tilespmem:$0x8080] =	vst v63  }
0xd7: {  	_ = 	snop  }
0xd8: {  	[tilespmem:s15], [sflag:$0x1] =	stream.indirect_vreg.gather [hbm4b:s1+s3], $0x80, v3, vm0, $0xb8;
	[tilespmem:$0x8080] =	vst v63  }
0xd9: {  	v3 =	vld [tilespmem:$0x10];
	_ =	sdelay $0x4  }
0xda: {  	v49 =	vshll.u32 v3, $0x1  }
0xdb: {  	v3 =	vand.u32 $0x7, v3;
	v4 =	vand.u32 $0xFFFFFFF0, v49  }
0xdc: {  	v3 =	vor.u32 v3, v4  }
0xdd: {  	v4 =	vperm.xlane v3, v0;
	_ =	sdelay $0x1  }
0xde: {  	v3 =	vperm.xlane v3, v2;
	v4 =	vadd.s32 v1, v4;
	_ =	sdelay $0x1  }
0xdf: {  	v3 =	vadd.s32 v1, v3;
	_ =	sdelay $0x2  }
0xe0: {  	[tilespmem:s16], [sflag:$0x1] =	stream.indirect_vreg.gather [hbm4b:s1+s3], $0x80, v4, vm0, $0xb8;
	[tilespmem:$0x8080] =	vst v63  }
0xe1: {  	_ = 	snop  }
0xe2: {  	[tilespmem:s17], [sflag:$0x1] =	stream.indirect_vreg.gather [hbm4b:s1+s3], $0x80, v3, vm0, $0xb8;
	[tilespmem:$0x8080] =	vst v63  }
0xe3: {  	v3 =	vld [tilespmem:$0x20];
	_ =	sdelay $0x4  }
0xe4: {  	v50 =	vshll.u32 v3, $0x1  }
0xe5: {  	v3 =	vand.u32 $0x7, v3;
	v4 =	vand.u32 $0xFFFFFFF0, v50  }
0xe6: {  	v3 =	vor.u32 v3, v4  }
0xe7: {  	v4 =	vperm.xlane v3, v0;
	_ =	sdelay $0x1  }
0xe8: {  	v3 =	vperm.xlane v3, v2;
	v4 =	vadd.s32 v1, v4;
	_ =	sdelay $0x1  }
0xe9: {  	v3 =	vadd.s32 v1, v3;
	_ =	sdelay $0x2  }
0xea: {  	[tilespmem:s18], [sflag:$0x1] =	stream.indirect_vreg.gather [hbm4b:s1+s3], $0x80, v4, vm0, $0xb8;
	[tilespmem:$0x8080] =	vst v63  }
0xeb: {  	_ = 	snop  }
0xec: {  	[tilespmem:s19], [sflag:$0x1] =	stream.indirect_vreg.gather [hbm4b:s1+s3], $0x80, v3, vm0, $0xb8;
	[tilespmem:$0x8080] =	vst v63  }
0xed: {  	v3 =	vld [tilespmem:$0x30];
	_ =	sdelay $0x4  }
0xee: {  	v51 =	vshll.u32 v3, $0x1  }
0xef: {  	v3 =	vand.u32 $0x7, v3;
	v4 =	vand.u32 $0xFFFFFFF0, v51  }
0xf0: {  	v3 =	vor.u32 v3, v4  }
0xf1: {  	v4 =	vperm.xlane v3, v0;
	_ =	sdelay $0x1  }
0xf2: {  	v3 =	vperm.xlane v3, v2;
	v4 =	vadd.s32 v1, v4;
	_ =	sdelay $0x1  }
0xf3: {  	v3 =	vadd.s32 v1, v3;
	_ =	sdelay $0x2  }
0xf4: {  	[tilespmem:s20], [sflag:$0x1] =	stream.indirect_vreg.gather [hbm4b:s1+s3], $0x80, v4, vm0, $0xb8;
	[tilespmem:$0x8080] =	vst v63  }
0xf5: {  	_ = 	snop  }
0xf6: {  	[tilespmem:s21], [sflag:$0x1] =	stream.indirect_vreg.gather [hbm4b:s1+s3], $0x80, v3, vm0, $0xb8;
	[tilespmem:$0x8080] =	vst v63  }
0xf7: {  	v3 =	vld [tilespmem:$0x40];
	_ =	sdelay $0x4  }
0xf8: {  	v52 =	vshll.u32 v3, $0x1  }
0xf9: {  	v3 =	vand.u32 $0x7, v3;
	v4 =	vand.u32 $0xFFFFFFF0, v52  }
0xfa: {  	v3 =	vor.u32 v3, v4  }
0xfb: {  	v4 =	vperm.xlane v3, v0;
	_ =	sdelay $0x1  }
0xfc: {  	v3 =	vperm.xlane v3, v2;
	v4 =	vadd.s32 v1, v4;
	_ =	sdelay $0x1  }
0xfd: {  	v3 =	vadd.s32 v1, v3;
	_ =	sdelay $0x2  }
0xfe: {  	[tilespmem:s22], [sflag:$0x1] =	stream.indirect_vreg.gather [hbm4b:s1+s3], $0x80, v4, vm0, $0xb8;
	[tilespmem:$0x8080] =	vst v63  }
0xff: {  	_ = 	snop  }
0x100: {  	[tilespmem:s23], [sflag:$0x1] =	stream.indirect_vreg.gather [hbm4b:s1+s3], $0x80, v3, vm0, $0xb8;
	[tilespmem:$0x8080] =	vst v63  }
0x101: {  	v3 =	vld [tilespmem:$0x50];
	_ =	sdelay $0x4  }
0x102: {  	v53 =	vshll.u32 v3, $0x1  }
0x103: {  	v3 =	vand.u32 $0x7, v3;
	v4 =	vand.u32 $0xFFFFFFF0, v53  }
0x104: {  	v3 =	vor.u32 v3, v4  }
0x105: {  	v4 =	vperm.xlane v3, v0;
	_ =	sdelay $0x1  }
0x106: {  	v3 =	vperm.xlane v3, v2;
	v4 =	vadd.s32 v1, v4;
	_ =	sdelay $0x1  }
0x107: {  	v3 =	vadd.s32 v1, v3;
	_ =	sdelay $0x2  }
0x108: {  	[tilespmem:s24], [sflag:$0x1] =	stream.indirect_vreg.gather [hbm4b:s1+s3], $0x80, v4, vm0, $0xb8;
	[tilespmem:$0x8080] =	vst v63  }
0x109: {  	_ = 	snop  }
0x10a: {  	[tilespmem:s25], [sflag:$0x1] =	stream.indirect_vreg.gather [hbm4b:s1+s3], $0x80, v3, vm0, $0xb8;
	[tilespmem:$0x8080] =	vst v63  }
0x10b: {  	v3 =	vld [tilespmem:$0x60];
	_ =	sdelay $0x4  }
0x10c: {  	v54 =	vshll.u32 v3, $0x1  }
0x10d: {  	v3 =	vand.u32 $0x7, v3;
	v4 =	vand.u32 $0xFFFFFFF0, v54  }
0x10e: {  	v3 =	vor.u32 v3, v4  }
0x10f: {  	v4 =	vperm.xlane v3, v0;
	_ =	sdelay $0x1  }
0x110: {  	v3 =	vperm.xlane v3, v2;
	v4 =	vadd.s32 v1, v4;
	_ =	sdelay $0x1  }
0x111: {  	v3 =	vadd.s32 v1, v3;
	_ =	sdelay $0x2  }
0x112: {  	[tilespmem:s26], [sflag:$0x1] =	stream.indirect_vreg.gather [hbm4b:s1+s3], $0x80, v4, vm0, $0xb8;
	[tilespmem:$0x8080] =	vst v63  }
0x113: {  	_ = 	snop  }
0x114: {  	[tilespmem:s28], [sflag:$0x1] =	stream.indirect_vreg.gather [hbm4b:s1+s3], $0x80, v3, vm0, $0xb8;
	[tilespmem:$0x8080] =	vst v63  }
0x115: {  	v3 =	vld [tilespmem:$0x70];
	_ =	sdelay $0x4  }
0x116: {  	v55 =	vshll.u32 v3, $0x1  }
0x117: {  	v3 =	vand.u32 $0x7, v3;
	v4 =	vand.u32 $0xFFFFFFF0, v55  }
0x118: {  	v3 =	vor.u32 v3, v4  }
0x119: {  	v4 =	vperm.xlane v3, v0;
	_ =	sdelay $0x1  }
0x11a: {  	v3 =	vperm.xlane v3, v2;
	v4 =	vadd.s32 v1, v4;
	_ =	sdelay $0x1  }
0x11b: {  	v3 =	vadd.s32 v1, v3;
	_ =	sdelay $0x2  }
0x11c: {  	[tilespmem:s29], [sflag:$0x1] =	stream.indirect_vreg.gather [hbm4b:s1+s3], $0x80, v4, vm0, $0xb8;
	[tilespmem:$0x8080] =	vst v63  }
0x11d: {  	_ = 	snop  }
0x11e: {  	[tilespmem:s30], [sflag:$0x1] =	stream.indirect_vreg.gather [hbm4b:s1+s3], $0x80, v3, vm0, $0xb8;
	[tilespmem:$0x8080] =	vst v63  }
0x11f: {  	_ =	swait.ge [sflag:s31], $0x8000  }
0x120: {  	[sflag:s31] =	ssyncset.done $0x0  }
0x121: {  	[sflag:s31] =	ssyncadd.s32 $0xFFFF8000  }
0x122: {  	[hbm4b:s9+s3] =	stream.linear.scatter [tilespmem:s14], [sflag:$0x2], $0x8000, $0x38;
	[tilespmem:$0x8080] =	vst v63  }
0x123: {  	_ =	swait.ge [sflag:s13], $0x8000  }
0x124: {  	[sflag:s13] =	ssyncset.done $0x0  }
0x125: {  	[sflag:s13] =	ssyncadd.s32 $0xFFFF8000  }
0x126: {  	[tilespmem:s3], [sflag:$0x2] =	stream.linear.gather [hbm4b:s10+s3], $0x80, $0x38;
	[tilespmem:$0x8080] =	vst v63  }
0x127: {  	_ =	swait.ge [sflag:s13], $0x80  }
0x128: {  	[sflag:s13] =	ssyncset.done $0x0  }
0x129: {  	[sflag:s13] =	ssyncadd.s32 $0xFFFFFF80  }
0x12a: {  	v3 =	vld [tilespmem:$0x0];
	_ =	sdelay $0x4  }
0x12b: {  	v56 =	vshll.u32 v3, $0x1  }
0x12c: {  	v3 =	vand.u32 $0x7, v3;
	v4 =	vand.u32 $0xFFFFFFF0, v56  }
0x12d: {  	v3 =	vor.u32 v3, v4  }
0x12e: {  	v4 =	vperm.xlane v3, v0;
	_ =	sdelay $0x1  }
0x12f: {  	v3 =	vperm.xlane v3, v2;
	v4 =	vadd.s32 v1, v4;
	_ =	sdelay $0x1  }
0x130: {  	v3 =	vadd.s32 v1, v3;
	_ =	sdelay $0x2  }
0x131: {  	[tilespmem:s14], [sflag:$0x1] =	stream.indirect_vreg.gather [hbm4b:s1+s3], $0x80, v4, vm0, $0xb8;
	[tilespmem:$0x8080] =	vst v63  }
0x132: {  	_ = 	snop  }
0x133: {  	[tilespmem:s15], [sflag:$0x1] =	stream.indirect_vreg.gather [hbm4b:s1+s3], $0x80, v3, vm0, $0xb8;
	[tilespmem:$0x8080] =	vst v63  }
0x134: {  	v3 =	vld [tilespmem:$0x10];
	_ =	sdelay $0x4  }
0x135: {  	v57 =	vshll.u32 v3, $0x1  }
0x136: {  	v3 =	vand.u32 $0x7, v3;
	v4 =	vand.u32 $0xFFFFFFF0, v57  }
0x137: {  	v3 =	vor.u32 v3, v4  }
0x138: {  	v4 =	vperm.xlane v3, v0;
	_ =	sdelay $0x1  }
0x139: {  	v3 =	vperm.xlane v3, v2;
	v4 =	vadd.s32 v1, v4;
	_ =	sdelay $0x1  }
0x13a: {  	v3 =	vadd.s32 v1, v3;
	_ =	sdelay $0x2  }
0x13b: {  	[tilespmem:s16], [sflag:$0x1] =	stream.indirect_vreg.gather [hbm4b:s1+s3], $0x80, v4, vm0, $0xb8;
	[tilespmem:$0x8080] =	vst v63  }
0x13c: {  	_ = 	snop  }
0x13d: {  	[tilespmem:s17], [sflag:$0x1] =	stream.indirect_vreg.gather [hbm4b:s1+s3], $0x80, v3, vm0, $0xb8;
	[tilespmem:$0x8080] =	vst v63  }
0x13e: {  	v3 =	vld [tilespmem:$0x20];
	_ =	sdelay $0x4  }
0x13f: {  	v58 =	vshll.u32 v3, $0x1  }
0x140: {  	v3 =	vand.u32 $0x7, v3;
	v4 =	vand.u32 $0xFFFFFFF0, v58  }
0x141: {  	v3 =	vor.u32 v3, v4  }
0x142: {  	v4 =	vperm.xlane v3, v0;
	_ =	sdelay $0x1  }
0x143: {  	v3 =	vperm.xlane v3, v2;
	v4 =	vadd.s32 v1, v4;
	_ =	sdelay $0x1  }
0x144: {  	v3 =	vadd.s32 v1, v3;
	_ =	sdelay $0x2  }
0x145: {  	[tilespmem:s18], [sflag:$0x1] =	stream.indirect_vreg.gather [hbm4b:s1+s3], $0x80, v4, vm0, $0xb8;
	[tilespmem:$0x8080] =	vst v63  }
0x146: {  	_ = 	snop  }
0x147: {  	[tilespmem:s19], [sflag:$0x1] =	stream.indirect_vreg.gather [hbm4b:s1+s3], $0x80, v3, vm0, $0xb8;
	[tilespmem:$0x8080] =	vst v63  }
0x148: {  	v3 =	vld [tilespmem:$0x30];
	_ =	sdelay $0x4  }
0x149: {  	v59 =	vshll.u32 v3, $0x1  }
0x14a: {  	v3 =	vand.u32 $0x7, v3;
	v4 =	vand.u32 $0xFFFFFFF0, v59  }
0x14b: {  	v3 =	vor.u32 v3, v4  }
0x14c: {  	v4 =	vperm.xlane v3, v0;
	_ =	sdelay $0x1  }
0x14d: {  	v3 =	vperm.xlane v3, v2;
	v4 =	vadd.s32 v1, v4;
	_ =	sdelay $0x1  }
0x14e: {  	v3 =	vadd.s32 v1, v3;
	_ =	sdelay $0x2  }
0x14f: {  	[tilespmem:s20], [sflag:$0x1] =	stream.indirect_vreg.gather [hbm4b:s1+s3], $0x80, v4, vm0, $0xb8;
	[tilespmem:$0x8080] =	vst v63  }
0x150: {  	_ = 	snop  }
0x151: {  	[tilespmem:s21], [sflag:$0x1] =	stream.indirect_vreg.gather [hbm4b:s1+s3], $0x80, v3, vm0, $0xb8;
	[tilespmem:$0x8080] =	vst v63  }
0x152: {  	v3 =	vld [tilespmem:$0x40];
	_ =	sdelay $0x4  }
0x153: {  	v60 =	vshll.u32 v3, $0x1  }
0x154: {  	v3 =	vand.u32 $0x7, v3;
	v4 =	vand.u32 $0xFFFFFFF0, v60  }
0x155: {  	v3 =	vor.u32 v3, v4  }
0x156: {  	v4 =	vperm.xlane v3, v0;
	_ =	sdelay $0x1  }
0x157: {  	v3 =	vperm.xlane v3, v2;
	v4 =	vadd.s32 v1, v4;
	_ =	sdelay $0x1  }
0x158: {  	v3 =	vadd.s32 v1, v3;
	_ =	sdelay $0x2  }
0x159: {  	[tilespmem:s22], [sflag:$0x1] =	stream.indirect_vreg.gather [hbm4b:s1+s3], $0x80, v4, vm0, $0xb8;
	[tilespmem:$0x8080] =	vst v63  }
0x15a: {  	_ = 	snop  }
0x15b: {  	[tilespmem:s23], [sflag:$0x1] =	stream.indirect_vreg.gather [hbm4b:s1+s3], $0x80, v3, vm0, $0xb8;
	[tilespmem:$0x8080] =	vst v63  }
0x15c: {  	v3 =	vld [tilespmem:$0x50];
	_ =	sdelay $0x4  }
0x15d: {  	v61 =	vshll.u32 v3, $0x1  }
0x15e: {  	v3 =	vand.u32 $0x7, v3;
	v4 =	vand.u32 $0xFFFFFFF0, v61  }
0x15f: {  	v3 =	vor.u32 v3, v4  }
0x160: {  	v4 =	vperm.xlane v3, v0;
	_ =	sdelay $0x1  }
0x161: {  	v3 =	vperm.xlane v3, v2;
	v4 =	vadd.s32 v1, v4;
	_ =	sdelay $0x1  }
0x162: {  	v3 =	vadd.s32 v1, v3;
	_ =	sdelay $0x2  }
0x163: {  	[tilespmem:s24], [sflag:$0x1] =	stream.indirect_vreg.gather [hbm4b:s1+s3], $0x80, v4, vm0, $0xb8;
	[tilespmem:$0x8080] =	vst v63  }
0x164: {  	_ = 	snop  }
0x165: {  	[tilespmem:s25], [sflag:$0x1] =	stream.indirect_vreg.gather [hbm4b:s1+s3], $0x80, v3, vm0, $0xb8;
	[tilespmem:$0x8080] =	vst v63  }
0x166: {  	v3 =	vld [tilespmem:$0x60];
	_ =	sdelay $0x4  }
0x167: {  	v62 =	vshll.u32 v3, $0x1  }
0x168: {  	v3 =	vand.u32 $0x7, v3;
	v4 =	vand.u32 $0xFFFFFFF0, v62  }
0x169: {  	v3 =	vor.u32 v3, v4  }
0x16a: {  	v4 =	vperm.xlane v3, v0;
	_ =	sdelay $0x1  }
0x16b: {  	v3 =	vperm.xlane v3, v2;
	v4 =	vadd.s32 v1, v4;
	_ =	sdelay $0x1  }
0x16c: {  	v3 =	vadd.s32 v1, v3;
	_ =	sdelay $0x2  }
0x16d: {  	[tilespmem:s26], [sflag:$0x1] =	stream.indirect_vreg.gather [hbm4b:s1+s3], $0x80, v4, vm0, $0xb8;
	[tilespmem:$0x8080] =	vst v63  }
0x16e: {  	_ = 	snop  }
0x16f: {  	[tilespmem:s28], [sflag:$0x1] =	stream.indirect_vreg.gather [hbm4b:s1+s3], $0x80, v3, vm0, $0xb8;
	[tilespmem:$0x8080] =	vst v63  }
0x170: {  	v3 =	vld [tilespmem:$0x70];
	_ =	sdelay $0x4  }
0x171: {  	v63 =	vshll.u32 v3, $0x1  }
0x172: {  	v3 =	vand.u32 $0x7, v3;
	v4 =	vand.u32 $0xFFFFFFF0, v63  }
0x173: {  	v3 =	vor.u32 v3, v4  }
0x174: {  	v4 =	vperm.xlane v3, v0;
	_ =	sdelay $0x1  }
0x175: {  	v3 =	vperm.xlane v3, v2;
	v4 =	vadd.s32 v1, v4;
	_ =	sdelay $0x1  }
0x176: {  	v3 =	vadd.s32 v1, v3;
	_ =	sdelay $0x2  }
0x177: {  	[tilespmem:s29], [sflag:$0x1] =	stream.indirect_vreg.gather [hbm4b:s1+s3], $0x80, v4, vm0, $0xb8;
	[tilespmem:$0x8080] =	vst v63  }
0x178: {  	_ = 	snop  }
0x179: {  	[tilespmem:s30], [sflag:$0x1] =	stream.indirect_vreg.gather [hbm4b:s1+s3], $0x80, v3, vm0, $0xb8;
	[tilespmem:$0x8080] =	vst v63  }
0x17a: {  	_ =	swait.ge [sflag:s31], $0x8000  }
0x17b: {  	p0 =	sne.s32 s12, $0x1;
	[sflag:s31] =	ssyncset.done $0x0  }
.Ltmp0:
0x17c: {  	[sflag:s31] =	ssyncadd.s32 $0xFFFF8000;
	(pc) =	sbr.rel @p0 .LBB2_1-.Ltmp0, $4  }
0x17d: {  	[hbm4b:s11+s3] =	stream.linear.scatter [tilespmem:s14], [sflag:$0x2], $0x8000, $0x38;
	[tilespmem:$0x8080] =	vst v63  }
0x17e: {  	_ =	swait.ge [sflag:s13], $0x8000  }
0x17f: {  	[sflag:s13] =	ssyncset.done $0x0  }
0x180: {  	s12 =	sadd.s32 $0xFFFFFFFF, s12;
	[sflag:s13] =	ssyncadd.s32 $0xFFFF8000  }
0x181: {  	_ =	sfence.sel $0x180000  }
0x182: {  	[bflag:$0x0] =	sbarrier.arrive $0xFFFF  }
0x183: {  	p0 =	sne.s32 s2, $0x0;
	_ =	strace $0x90000047  }
0x184: {  	s0 =	sadd.s32 @!p0 $0x100000, s0;
	[bflag:$0x2] =	sbarrier.arrive $0xFFFF  }
0x185: {  	[sflag:s0] =	ssyncadd.tile.s32 @!p0 $0x1;
	_ =	shalt  }
.Lfunc_end2:
_tile_overlayer_lowered:
.L_overlay_start_2:
0x186: {  	(tag) =	ssettag $0x2  }
0x187: {  	s0 =	rddreg [dreg:$0x0];
	s2 =	stileid.u32  }
0x188: {  	s1 =	rddreg [dreg:$0x1];
	p0 =	sne.s32 s2, $0x0  }
0x189: {  	s3 =	rddreg [dreg:$0x2];
	[bflag:$0x3] =	sbarrier.arrive $0xFFFF;
	s2 =	simm.s32 @!p0 $0x1C02  }
0x18a: {  	[timem:s3], [sflag:s2] =	dma.local @!p0 [hbm:s0], s1  }
0x18b: {  	s0 =	simm.s32 @!p0 $0x2  }
0x18c: {  	_ =	swait.ge @!p0 [sflag:s0], s1  }
0x18d: {  	s1 =	ssub.s32 @!p0 $0x0, s1;
	[sflag:s0] =	ssyncset.done @!p0 $0x0  }
0x18e: {  	[sflag:s0] =	ssyncadd.s32 @!p0 s1  }
0x18f: {  	[bflag:$0x3] =	sbarrier.arrive $0xFFFF  }
0x190: {  	_ =	shalt  }

</sc_bundles>
